<compile_context>
chip_gen: v7x
topology: tpu7x:2x2x1
jax: 0.10.2.dev20260603
libtpu: 0.0.44.dev20260713+nightly
codegen_flags: <defaults>
</compile_context>

<pallas_src>
import functools

import jax
import jax.numpy as jnp
from jax import lax
from jax.experimental import pallas as pl
from jax.experimental.pallas import tpu as pltpu
from jax.experimental.pallas import tpu_sc as plsc

MAX_LEN = 200
D_MODEL = 64
BATCH = 4096

NUM_CORES = 2
NUM_SUBCORES = 16
NUM_WORKERS = NUM_CORES * NUM_SUBCORES
ROWS_PER_WORKER = BATCH // NUM_WORKERS
REP = 8
BURSTS = ROWS_PER_WORKER // REP
K_SEM = 4
ROW_SC = MAX_LEN * D_MODEL

_mesh = plsc.VectorSubcoreMesh(core_axis_name="c", subcore_axis_name="s")


@functools.partial(
    pl.kernel,
    mesh=_mesh,
    out_type=jax.ShapeDtypeStruct((BATCH, ROW_SC), jnp.float32),
    scratch_types=[
        pltpu.VMEM((REP, ROW_SC), jnp.float32),
        pltpu.SemaphoreType.DMA((K_SEM,)),
    ],
)
def _broadcast_table(table_hbm, out_hbm, buf, sems):
    wid = lax.axis_index("s") * NUM_CORES + lax.axis_index("c")
    base = wid * ROWS_PER_WORKER
    for r in range(REP):
        pltpu.sync_copy(table_hbm, buf.at[pl.ds(r, 1)])

    copies = []
    for i in range(BURSTS):
        c = pltpu.make_async_copy(
            buf,
            out_hbm.at[pl.ds(base + i * REP, REP)],
            sems.at[i % K_SEM],
        )
        c.start()
        copies.append(c)
        if i >= K_SEM:
            copies[i - K_SEM].wait()
    for c in copies[max(0, BURSTS - K_SEM):]:
        c.wait()


ROW = MAX_LEN * D_MODEL
B_BLK = 256
N_CHUNKS = BATCH // B_BLK
K_INFLIGHT = 8


def _tc_body(table_ref, out_ref, scratch_ref, sem):
    scratch_ref[...] = jnp.broadcast_to(
        table_ref[...][None], (B_BLK, 2, ROW)
    )
    src = scratch_ref.at[:, pl.ds(0, 1)]
    copies = []
    for idx in range(N_CHUNKS):
        c = pltpu.make_async_copy(
            src,
            out_ref.at[pl.ds(idx * B_BLK, B_BLK)],
            sem.at[idx % K_INFLIGHT],
        )
        c.start()
        copies.append(c)
        if idx >= K_INFLIGHT:
            copies[idx - K_INFLIGHT].wait()
    for c in copies[max(0, N_CHUNKS - K_INFLIGHT):]:
        c.wait()


_tc_call = pl.pallas_call(
    _tc_body,
    in_specs=[pl.BlockSpec(memory_space=pltpu.VMEM)],
    out_specs=pl.BlockSpec(memory_space=pl.ANY),
    out_shape=jax.ShapeDtypeStruct((BATCH, 1, ROW), jnp.float32),
    scratch_shapes=[
        pltpu.VMEM((B_BLK, 2, ROW), jnp.float32),
        pltpu.SemaphoreType.DMA((K_INFLIGHT,)),
    ],
)


def kernel(x, pe_weight):
    del x
    flat = _broadcast_table(pe_weight.reshape(1, ROW_SC))
    return flat.reshape(BATCH, MAX_LEN, D_MODEL)

# --- scband reference (transcript-rebuilt; emitter-appended) ---
"""Pipeline reference for scband-positional-embedding-6184752906475 (READ-ONLY COPY).

The authoritative reference and input builder live on the scoring server;
editing this copy changes nothing except your own understanding.
"""

import jax, jax.numpy as jnp
import numpy as np

MAX_LEN = 200
D_MODEL = 64
BATCH = 4096

def setup_inputs(seed: int = 0) -> dict:
    key = jax.random.key(seed)
    k1, k2 = jax.random.split(key)
    x = jax.random.randint(k1, (BATCH, MAX_LEN), 0, MAX_LEN, dtype=jnp.int64 if jax.config.jax_enable_x64 else jnp.int32)
    pe_weight = jax.random.normal(k2, (MAX_LEN, D_MODEL), dtype=jnp.float32)
    return {"x": x, "pe_weight": pe_weight}

def reference(x, pe_weight):
    # forward: return self.pe.weight.unsqueeze(0).repeat(batch_size, 1, 1)
    batch_size = x.shape[0]
    out = jnp.tile(pe_weight[None, :, :], (batch_size, 1, 1))
    return out

if __name__ == "__main__":
    import jax
    _d = setup_inputs()
    print(jax.jit(kernel)(*tuple(_d.values())))

</pallas_src>

<mosaic_0001>
#map = affine_map<(d0, d1) -> (0, 0)>
module attributes {stable_mosaic.version = 14 : i64} {
  func.func @_broadcast_table(%arg0: i32, %arg1: i32, %arg2: memref<1x12800xf32, #tpu.memory_space<hbm>>, %arg3: memref<4096x12800xf32, #tpu.memory_space<hbm>>, %arg4: memref<8x12800xf32, #tpu.memory_space<vmem>>, %arg5: memref<4x!tpu.dma_semaphore, #tpu.memory_space<semaphore_mem>>) attributes {dimension_semantics = [#tpu.dimension_semantics<core_parallel>, #tpu.dimension_semantics<subcore_parallel>], iteration_bounds = array<i64: 2, 16>, scalar_prefetch = 0 : i64, scratch_operands = 2 : i64, tpu.core_type = #tpu.core_type<sc_vector_subcore>, window_params = [{transform_indices = #map}, {transform_indices = #map}]} {
    %mul3A = arith.constant 2 : i32
    %mul3A_0 = arith.muli %arg1, %mul3A : i32
    %add3A = arith.addi %mul3A_0, %arg0 : i32
    %mul3A_1 = arith.constant 128 : i32
    %mul3A_2 = arith.muli %add3A, %mul3A_1 : i32
    "tpu.region"() ({
      %run_scoped3A = tpu.sem_alloc : memref<!tpu.dma_semaphore, #tpu.memory_space<semaphore_mem>>
      %dma_start3A_257 = arith.constant 0 : i32
      %dma_start3A_258 = arith.constant 0 : i32
      %dma_start3A_259 = tpu.memref_slice %arg4[%dma_start3A_257, %dma_start3A_258] : memref<8x12800xf32, #tpu.memory_space<vmem>> -> memref<1x12800xf32, #tpu.memory_space<vmem>>
      %dma_start3A_260 = arith.constant 0 : i32
      %dma_start3A_261 = arith.constant 0 : i32
      %dma_start3A_262 = tpu.memref_slice %arg4[%dma_start3A_260, %dma_start3A_261] : memref<8x12800xf32, #tpu.memory_space<vmem>> -> memref<1x12800xf32, #tpu.memory_space<vmem>>
      tpu.enqueue_dma source(%arg2 : memref<1x12800xf32, #tpu.memory_space<hbm>>) target(%dma_start3A_262 : memref<1x12800xf32, #tpu.memory_space<vmem>>) target_semaphore(%run_scoped3A : memref<!tpu.dma_semaphore, #tpu.memory_space<semaphore_mem>>)
      %dma_wait3A_263 = arith.constant 0 : i32
      %dma_wait3A_264 = arith.constant 0 : i32
      %dma_wait3A_265 = tpu.memref_slice %arg4[%dma_wait3A_263, %dma_wait3A_264] : memref<8x12800xf32, #tpu.memory_space<vmem>> -> memref<1x12800xf32, #tpu.memory_space<vmem>>
      %dma_wait3A_266 = arith.constant 0 : i32
      %dma_wait3A_267 = arith.constant 0 : i32
      %dma_wait3A_268 = tpu.memref_slice %arg4[%dma_wait3A_266, %dma_wait3A_267] : memref<8x12800xf32, #tpu.memory_space<vmem>> -> memref<1x12800xf32, #tpu.memory_space<vmem>>
      tpu.wait_dma2 semaphore(%run_scoped3A : memref<!tpu.dma_semaphore, #tpu.memory_space<semaphore_mem>>) src(%arg2 : memref<1x12800xf32, #tpu.memory_space<hbm>>) dst(%dma_wait3A_268 : memref<1x12800xf32, #tpu.memory_space<vmem>>)
      tpu.yield
    }) : () -> ()
    "tpu.region"() ({
      %run_scoped3A = tpu.sem_alloc : memref<!tpu.dma_semaphore, #tpu.memory_space<semaphore_mem>>
      %dma_start3A_257 = arith.constant 1 : i32
      %dma_start3A_258 = arith.constant 0 : i32
      %dma_start3A_259 = tpu.memref_slice %arg4[%dma_start3A_257, %dma_start3A_258] : memref<8x12800xf32, #tpu.memory_space<vmem>> -> memref<1x12800xf32, #tpu.memory_space<vmem>>
      %dma_start3A_260 = arith.constant 1 : i32
      %dma_start3A_261 = arith.constant 0 : i32
      %dma_start3A_262 = tpu.memref_slice %arg4[%dma_start3A_260, %dma_start3A_261] : memref<8x12800xf32, #tpu.memory_space<vmem>> -> memref<1x12800xf32, #tpu.memory_space<vmem>>
      tpu.enqueue_dma source(%arg2 : memref<1x12800xf32, #tpu.memory_space<hbm>>) target(%dma_start3A_262 : memref<1x12800xf32, #tpu.memory_space<vmem>>) target_semaphore(%run_scoped3A : memref<!tpu.dma_semaphore, #tpu.memory_space<semaphore_mem>>)
      %dma_wait3A_263 = arith.constant 1 : i32
      %dma_wait3A_264 = arith.constant 0 : i32
      %dma_wait3A_265 = tpu.memref_slice %arg4[%dma_wait3A_263, %dma_wait3A_264] : memref<8x12800xf32, #tpu.memory_space<vmem>> -> memref<1x12800xf32, #tpu.memory_space<vmem>>
      %dma_wait3A_266 = arith.constant 1 : i32
      %dma_wait3A_267 = arith.constant 0 : i32
      %dma_wait3A_268 = tpu.memref_slice %arg4[%dma_wait3A_266, %dma_wait3A_267] : memref<8x12800xf32, #tpu.memory_space<vmem>> -> memref<1x12800xf32, #tpu.memory_space<vmem>>
      tpu.wait_dma2 semaphore(%run_scoped3A : memref<!tpu.dma_semaphore, #tpu.memory_space<semaphore_mem>>) src(%arg2 : memref<1x12800xf32, #tpu.memory_space<hbm>>) dst(%dma_wait3A_268 : memref<1x12800xf32, #tpu.memory_space<vmem>>)
      tpu.yield
    }) : () -> ()
    "tpu.region"() ({
      %run_scoped3A = tpu.sem_alloc : memref<!tpu.dma_semaphore, #tpu.memory_space<semaphore_mem>>
      %dma_start3A_257 = arith.constant 2 : i32
      %dma_start3A_258 = arith.constant 0 : i32
      %dma_start3A_259 = tpu.memref_slice %arg4[%dma_start3A_257, %dma_start3A_258] : memref<8x12800xf32, #tpu.memory_space<vmem>> -> memref<1x12800xf32, #tpu.memory_space<vmem>>
      %dma_start3A_260 = arith.constant 2 : i32
      %dma_start3A_261 = arith.constant 0 : i32
      %dma_start3A_262 = tpu.memref_slice %arg4[%dma_start3A_260, %dma_start3A_261] : memref<8x12800xf32, #tpu.memory_space<vmem>> -> memref<1x12800xf32, #tpu.memory_space<vmem>>
      tpu.enqueue_dma source(%arg2 : memref<1x12800xf32, #tpu.memory_space<hbm>>) target(%dma_start3A_262 : memref<1x12800xf32, #tpu.memory_space<vmem>>) target_semaphore(%run_scoped3A : memref<!tpu.dma_semaphore, #tpu.memory_space<semaphore_mem>>)
      %dma_wait3A_263 = arith.constant 2 : i32
      %dma_wait3A_264 = arith.constant 0 : i32
      %dma_wait3A_265 = tpu.memref_slice %arg4[%dma_wait3A_263, %dma_wait3A_264] : memref<8x12800xf32, #tpu.memory_space<vmem>> -> memref<1x12800xf32, #tpu.memory_space<vmem>>
      %dma_wait3A_266 = arith.constant 2 : i32
      %dma_wait3A_267 = arith.constant 0 : i32
      %dma_wait3A_268 = tpu.memref_slice %arg4[%dma_wait3A_266, %dma_wait3A_267] : memref<8x12800xf32, #tpu.memory_space<vmem>> -> memref<1x12800xf32, #tpu.memory_space<vmem>>
      tpu.wait_dma2 semaphore(%run_scoped3A : memref<!tpu.dma_semaphore, #tpu.memory_space<semaphore_mem>>) src(%arg2 : memref<1x12800xf32, #tpu.memory_space<hbm>>) dst(%dma_wait3A_268 : memref<1x12800xf32, #tpu.memory_space<vmem>>)
      tpu.yield
    }) : () -> ()
    "tpu.region"() ({
      %run_scoped3A = tpu.sem_alloc : memref<!tpu.dma_semaphore, #tpu.memory_space<semaphore_mem>>
      %dma_start3A_257 = arith.constant 3 : i32
      %dma_start3A_258 = arith.constant 0 : i32
      %dma_start3A_259 = tpu.memref_slice %arg4[%dma_start3A_257, %dma_start3A_258] : memref<8x12800xf32, #tpu.memory_space<vmem>> -> memref<1x12800xf32, #tpu.memory_space<vmem>>
      %dma_start3A_260 = arith.constant 3 : i32
      %dma_start3A_261 = arith.constant 0 : i32
      %dma_start3A_262 = tpu.memref_slice %arg4[%dma_start3A_260, %dma_start3A_261] : memref<8x12800xf32, #tpu.memory_space<vmem>> -> memref<1x12800xf32, #tpu.memory_space<vmem>>
      tpu.enqueue_dma source(%arg2 : memref<1x12800xf32, #tpu.memory_space<hbm>>) target(%dma_start3A_262 : memref<1x12800xf32, #tpu.memory_space<vmem>>) target_semaphore(%run_scoped3A : memref<!tpu.dma_semaphore, #tpu.memory_space<semaphore_mem>>)
      %dma_wait3A_263 = arith.constant 3 : i32
      %dma_wait3A_264 = arith.constant 0 : i32
      %dma_wait3A_265 = tpu.memref_slice %arg4[%dma_wait3A_263, %dma_wait3A_264] : memref<8x12800xf32, #tpu.memory_space<vmem>> -> memref<1x12800xf32, #tpu.memory_space<vmem>>
      %dma_wait3A_266 = arith.constant 3 : i32
      %dma_wait3A_267 = arith.constant 0 : i32
      %dma_wait3A_268 = tpu.memref_slice %arg4[%dma_wait3A_266, %dma_wait3A_267] : memref<8x12800xf32, #tpu.memory_space<vmem>> -> memref<1x12800xf32, #tpu.memory_space<vmem>>
      tpu.wait_dma2 semaphore(%run_scoped3A : memref<!tpu.dma_semaphore, #tpu.memory_space<semaphore_mem>>) src(%arg2 : memref<1x12800xf32, #tpu.memory_space<hbm>>) dst(%dma_wait3A_268 : memref<1x12800xf32, #tpu.memory_space<vmem>>)
      tpu.yield
    }) : () -> ()
    "tpu.region"() ({
      %run_scoped3A = tpu.sem_alloc : memref<!tpu.dma_semaphore, #tpu.memory_space<semaphore_mem>>
      %dma_start3A_257 = arith.constant 4 : i32
      %dma_start3A_258 = arith.constant 0 : i32
      %dma_start3A_259 = tpu.memref_slice %arg4[%dma_start3A_257, %dma_start3A_258] : memref<8x12800xf32, #tpu.memory_space<vmem>> -> memref<1x12800xf32, #tpu.memory_space<vmem>>
      %dma_start3A_260 = arith.constant 4 : i32
      %dma_start3A_261 = arith.constant 0 : i32
      %dma_start3A_262 = tpu.memref_slice %arg4[%dma_start3A_260, %dma_start3A_261] : memref<8x12800xf32, #tpu.memory_space<vmem>> -> memref<1x12800xf32, #tpu.memory_space<vmem>>
      tpu.enqueue_dma source(%arg2 : memref<1x12800xf32, #tpu.memory_space<hbm>>) target(%dma_start3A_262 : memref<1x12800xf32, #tpu.memory_space<vmem>>) target_semaphore(%run_scoped3A : memref<!tpu.dma_semaphore, #tpu.memory_space<semaphore_mem>>)
      %dma_wait3A_263 = arith.constant 4 : i32
      %dma_wait3A_264 = arith.constant 0 : i32
      %dma_wait3A_265 = tpu.memref_slice %arg4[%dma_wait3A_263, %dma_wait3A_264] : memref<8x12800xf32, #tpu.memory_space<vmem>> -> memref<1x12800xf32, #tpu.memory_space<vmem>>
      %dma_wait3A_266 = arith.constant 4 : i32
      %dma_wait3A_267 = arith.constant 0 : i32
      %dma_wait3A_268 = tpu.memref_slice %arg4[%dma_wait3A_266, %dma_wait3A_267] : memref<8x12800xf32, #tpu.memory_space<vmem>> -> memref<1x12800xf32, #tpu.memory_space<vmem>>
      tpu.wait_dma2 semaphore(%run_scoped3A : memref<!tpu.dma_semaphore, #tpu.memory_space<semaphore_mem>>) src(%arg2 : memref<1x12800xf32, #tpu.memory_space<hbm>>) dst(%dma_wait3A_268 : memref<1x12800xf32, #tpu.memory_space<vmem>>)
      tpu.yield
    }) : () -> ()
    "tpu.region"() ({
      %run_scoped3A = tpu.sem_alloc : memref<!tpu.dma_semaphore, #tpu.memory_space<semaphore_mem>>
      %dma_start3A_257 = arith.constant 5 : i32
      %dma_start3A_258 = arith.constant 0 : i32
      %dma_start3A_259 = tpu.memref_slice %arg4[%dma_start3A_257, %dma_start3A_258] : memref<8x12800xf32, #tpu.memory_space<vmem>> -> memref<1x12800xf32, #tpu.memory_space<vmem>>
      %dma_start3A_260 = arith.constant 5 : i32
      %dma_start3A_261 = arith.constant 0 : i32
      %dma_start3A_262 = tpu.memref_slice %arg4[%dma_start3A_260, %dma_start3A_261] : memref<8x12800xf32, #tpu.memory_space<vmem>> -> memref<1x12800xf32, #tpu.memory_space<vmem>>
      tpu.enqueue_dma source(%arg2 : memref<1x12800xf32, #tpu.memory_space<hbm>>) target(%dma_start3A_262 : memref<1x12800xf32, #tpu.memory_space<vmem>>) target_semaphore(%run_scoped3A : memref<!tpu.dma_semaphore, #tpu.memory_space<semaphore_mem>>)
      %dma_wait3A_263 = arith.constant 5 : i32
      %dma_wait3A_264 = arith.constant 0 : i32
      %dma_wait3A_265 = tpu.memref_slice %arg4[%dma_wait3A_263, %dma_wait3A_264] : memref<8x12800xf32, #tpu.memory_space<vmem>> -> memref<1x12800xf32, #tpu.memory_space<vmem>>
      %dma_wait3A_266 = arith.constant 5 : i32
      %dma_wait3A_267 = arith.constant 0 : i32
      %dma_wait3A_268 = tpu.memref_slice %arg4[%dma_wait3A_266, %dma_wait3A_267] : memref<8x12800xf32, #tpu.memory_space<vmem>> -> memref<1x12800xf32, #tpu.memory_space<vmem>>
      tpu.wait_dma2 semaphore(%run_scoped3A : memref<!tpu.dma_semaphore, #tpu.memory_space<semaphore_mem>>) src(%arg2 : memref<1x12800xf32, #tpu.memory_space<hbm>>) dst(%dma_wait3A_268 : memref<1x12800xf32, #tpu.memory_space<vmem>>)
      tpu.yield
    }) : () -> ()
    "tpu.region"() ({
      %run_scoped3A = tpu.sem_alloc : memref<!tpu.dma_semaphore, #tpu.memory_space<semaphore_mem>>
      %dma_start3A_257 = arith.constant 6 : i32
      %dma_start3A_258 = arith.constant 0 : i32
      %dma_start3A_259 = tpu.memref_slice %arg4[%dma_start3A_257, %dma_start3A_258] : memref<8x12800xf32, #tpu.memory_space<vmem>> -> memref<1x12800xf32, #tpu.memory_space<vmem>>
      %dma_start3A_260 = arith.constant 6 : i32
      %dma_start3A_261 = arith.constant 0 : i32
      %dma_start3A_262 = tpu.memref_slice %arg4[%dma_start3A_260, %dma_start3A_261] : memref<8x12800xf32, #tpu.memory_space<vmem>> -> memref<1x12800xf32, #tpu.memory_space<vmem>>
      tpu.enqueue_dma source(%arg2 : memref<1x12800xf32, #tpu.memory_space<hbm>>) target(%dma_start3A_262 : memref<1x12800xf32, #tpu.memory_space<vmem>>) target_semaphore(%run_scoped3A : memref<!tpu.dma_semaphore, #tpu.memory_space<semaphore_mem>>)
      %dma_wait3A_263 = arith.constant 6 : i32
      %dma_wait3A_264 = arith.constant 0 : i32
      %dma_wait3A_265 = tpu.memref_slice %arg4[%dma_wait3A_263, %dma_wait3A_264] : memref<8x12800xf32, #tpu.memory_space<vmem>> -> memref<1x12800xf32, #tpu.memory_space<vmem>>
      %dma_wait3A_266 = arith.constant 6 : i32
      %dma_wait3A_267 = arith.constant 0 : i32
      %dma_wait3A_268 = tpu.memref_slice %arg4[%dma_wait3A_266, %dma_wait3A_267] : memref<8x12800xf32, #tpu.memory_space<vmem>> -> memref<1x12800xf32, #tpu.memory_space<vmem>>
      tpu.wait_dma2 semaphore(%run_scoped3A : memref<!tpu.dma_semaphore, #tpu.memory_space<semaphore_mem>>) src(%arg2 : memref<1x12800xf32, #tpu.memory_space<hbm>>) dst(%dma_wait3A_268 : memref<1x12800xf32, #tpu.memory_space<vmem>>)
      tpu.yield
    }) : () -> ()
    "tpu.region"() ({
      %run_scoped3A = tpu.sem_alloc : memref<!tpu.dma_semaphore, #tpu.memory_space<semaphore_mem>>
      %dma_start3A_257 = arith.constant 7 : i32
      %dma_start3A_258 = arith.constant 0 : i32
      %dma_start3A_259 = tpu.memref_slice %arg4[%dma_start3A_257, %dma_start3A_258] : memref<8x12800xf32, #tpu.memory_space<vmem>> -> memref<1x12800xf32, #tpu.memory_space<vmem>>
      %dma_start3A_260 = arith.constant 7 : i32
      %dma_start3A_261 = arith.constant 0 : i32
      %dma_start3A_262 = tpu.memref_slice %arg4[%dma_start3A_260, %dma_start3A_261] : memref<8x12800xf32, #tpu.memory_space<vmem>> -> memref<1x12800xf32, #tpu.memory_space<vmem>>
      tpu.enqueue_dma source(%arg2 : memref<1x12800xf32, #tpu.memory_space<hbm>>) target(%dma_start3A_262 : memref<1x12800xf32, #tpu.memory_space<vmem>>) target_semaphore(%run_scoped3A : memref<!tpu.dma_semaphore, #tpu.memory_space<semaphore_mem>>)
      %dma_wait3A_263 = arith.constant 7 : i32
      %dma_wait3A_264 = arith.constant 0 : i32
      %dma_wait3A_265 = tpu.memref_slice %arg4[%dma_wait3A_263, %dma_wait3A_264] : memref<8x12800xf32, #tpu.memory_space<vmem>> -> memref<1x12800xf32, #tpu.memory_space<vmem>>
      %dma_wait3A_266 = arith.constant 7 : i32
      %dma_wait3A_267 = arith.constant 0 : i32
      %dma_wait3A_268 = tpu.memref_slice %arg4[%dma_wait3A_266, %dma_wait3A_267] : memref<8x12800xf32, #tpu.memory_space<vmem>> -> memref<1x12800xf32, #tpu.memory_space<vmem>>
      tpu.wait_dma2 semaphore(%run_scoped3A : memref<!tpu.dma_semaphore, #tpu.memory_space<semaphore_mem>>) src(%arg2 : memref<1x12800xf32, #tpu.memory_space<hbm>>) dst(%dma_wait3A_268 : memref<1x12800xf32, #tpu.memory_space<vmem>>)
      tpu.yield
    }) : () -> ()
    %add3A_3 = arith.constant 0 : i32
    %add3A_4 = arith.addi %mul3A_2, %add3A_3 : i32
    %dma_start3A = arith.constant 0 : i32
    %dma_start3A_5 = arith.constant 0 : i32
    %dma_start3A_6 = tpu.memref_slice %arg3[%add3A_4, %dma_start3A_5] : memref<4096x12800xf32, #tpu.memory_space<hbm>> -> memref<8x12800xf32, #tpu.memory_space<hbm>>
    %dma_start3A_7 = tpu.memref_slice %arg5[%dma_start3A] : memref<4x!tpu.dma_semaphore, #tpu.memory_space<semaphore_mem>> -> memref<1x!tpu.dma_semaphore, #tpu.memory_space<semaphore_mem>>
    %dma_start3A_8 = tpu.memref_squeeze %dma_start3A_7 : memref<1x!tpu.dma_semaphore, #tpu.memory_space<semaphore_mem>> -> memref<!tpu.dma_semaphore, #tpu.memory_space<semaphore_mem>>
    %dma_start3A_9 = arith.constant 0 : i32
    %dma_start3A_10 = tpu.memref_slice %arg3[%add3A_4, %dma_start3A_9] : memref<4096x12800xf32, #tpu.memory_space<hbm>> -> memref<8x12800xf32, #tpu.memory_space<hbm>>
    tpu.enqueue_dma source(%arg4 : memref<8x12800xf32, #tpu.memory_space<vmem>>) target(%dma_start3A_10 : memref<8x12800xf32, #tpu.memory_space<hbm>>) target_semaphore(%dma_start3A_8 : memref<!tpu.dma_semaphore, #tpu.memory_space<semaphore_mem>>)
    %add3A_11 = arith.constant 8 : i32
    %add3A_12 = arith.addi %mul3A_2, %add3A_11 : i32
    %dma_start3A_13 = arith.constant 1 : i32
    %dma_start3A_14 = arith.constant 0 : i32
    %dma_start3A_15 = tpu.memref_slice %arg3[%add3A_12, %dma_start3A_14] : memref<4096x12800xf32, #tpu.memory_space<hbm>> -> memref<8x12800xf32, #tpu.memory_space<hbm>>
    %dma_start3A_16 = tpu.memref_slice %arg5[%dma_start3A_13] : memref<4x!tpu.dma_semaphore, #tpu.memory_space<semaphore_mem>> -> memref<1x!tpu.dma_semaphore, #tpu.memory_space<semaphore_mem>>
    %dma_start3A_17 = tpu.memref_squeeze %dma_start3A_16 : memref<1x!tpu.dma_semaphore, #tpu.memory_space<semaphore_mem>> -> memref<!tpu.dma_semaphore, #tpu.memory_space<semaphore_mem>>
    %dma_start3A_18 = arith.constant 0 : i32
    %dma_start3A_19 = tpu.memref_slice %arg3[%add3A_12, %dma_start3A_18] : memref<4096x12800xf32, #tpu.memory_space<hbm>> -> memref<8x12800xf32, #tpu.memory_space<hbm>>
    tpu.enqueue_dma source(%arg4 : memref<8x12800xf32, #tpu.memory_space<vmem>>) target(%dma_start3A_19 : memref<8x12800xf32, #tpu.memory_space<hbm>>) target_semaphore(%dma_start3A_17 : memref<!tpu.dma_semaphore, #tpu.memory_space<semaphore_mem>>)
    %add3A_20 = arith.constant 16 : i32
    %add3A_21 = arith.addi %mul3A_2, %add3A_20 : i32
    %dma_start3A_22 = arith.constant 2 : i32
    %dma_start3A_23 = arith.constant 0 : i32
    %dma_start3A_24 = tpu.memref_slice %arg3[%add3A_21, %dma_start3A_23] : memref<4096x12800xf32, #tpu.memory_space<hbm>> -> memref<8x12800xf32, #tpu.memory_space<hbm>>
    %dma_start3A_25 = tpu.memref_slice %arg5[%dma_start3A_22] : memref<4x!tpu.dma_semaphore, #tpu.memory_space<semaphore_mem>> -> memref<1x!tpu.dma_semaphore, #tpu.memory_space<semaphore_mem>>
    %dma_start3A_26 = tpu.memref_squeeze %dma_start3A_25 : memref<1x!tpu.dma_semaphore, #tpu.memory_space<semaphore_mem>> -> memref<!tpu.dma_semaphore, #tpu.memory_space<semaphore_mem>>
    %dma_start3A_27 = arith.constant 0 : i32
    %dma_start3A_28 = tpu.memref_slice %arg3[%add3A_21, %dma_start3A_27] : memref<4096x12800xf32, #tpu.memory_space<hbm>> -> memref<8x12800xf32, #tpu.memory_space<hbm>>
    tpu.enqueue_dma source(%arg4 : memref<8x12800xf32, #tpu.memory_space<vmem>>) target(%dma_start3A_28 : memref<8x12800xf32, #tpu.memory_space<hbm>>) target_semaphore(%dma_start3A_26 : memref<!tpu.dma_semaphore, #tpu.memory_space<semaphore_mem>>)
    %add3A_29 = arith.constant 24 : i32
    %add3A_30 = arith.addi %mul3A_2, %add3A_29 : i32
    %dma_start3A_31 = arith.constant 3 : i32
    %dma_start3A_32 = arith.constant 0 : i32
    %dma_start3A_33 = tpu.memref_slice %arg3[%add3A_30, %dma_start3A_32] : memref<4096x12800xf32, #tpu.memory_space<hbm>> -> memref<8x12800xf32, #tpu.memory_space<hbm>>
    %dma_start3A_34 = tpu.memref_slice %arg5[%dma_start3A_31] : memref<4x!tpu.dma_semaphore, #tpu.memory_space<semaphore_mem>> -> memref<1x!tpu.dma_semaphore, #tpu.memory_space<semaphore_mem>>
    %dma_start3A_35 = tpu.memref_squeeze %dma_start3A_34 : memref<1x!tpu.dma_semaphore, #tpu.memory_space<semaphore_mem>> -> memref<!tpu.dma_semaphore, #tpu.memory_space<semaphore_mem>>
    %dma_start3A_36 = arith.constant 0 : i32
    %dma_start3A_37 = tpu.memref_slice %arg3[%add3A_30, %dma_start3A_36] : memref<4096x12800xf32, #tpu.memory_space<hbm>> -> memref<8x12800xf32, #tpu.memory_space<hbm>>
    tpu.enqueue_dma source(%arg4 : memref<8x12800xf32, #tpu.memory_space<vmem>>) target(%dma_start3A_37 : memref<8x12800xf32, #tpu.memory_space<hbm>>) target_semaphore(%dma_start3A_35 : memref<!tpu.dma_semaphore, #tpu.memory_space<semaphore_mem>>)
    %add3A_38 = arith.constant 32 : i32
    %add3A_39 = arith.addi %mul3A_2, %add3A_38 : i32
    %dma_start3A_40 = arith.constant 0 : i32
    %dma_start3A_41 = arith.constant 0 : i32
    %dma_start3A_42 = tpu.memref_slice %arg3[%add3A_39, %dma_start3A_41] : memref<4096x12800xf32, #tpu.memory_space<hbm>> -> memref<8x12800xf32, #tpu.memory_space<hbm>>
    %dma_start3A_43 = tpu.memref_slice %arg5[%dma_start3A_40] : memref<4x!tpu.dma_semaphore, #tpu.memory_space<semaphore_mem>> -> memref<1x!tpu.dma_semaphore, #tpu.memory_space<semaphore_mem>>
    %dma_start3A_44 = tpu.memref_squeeze %dma_start3A_43 : memref<1x!tpu.dma_semaphore, #tpu.memory_space<semaphore_mem>> -> memref<!tpu.dma_semaphore, #tpu.memory_space<semaphore_mem>>
    %dma_start3A_45 = arith.constant 0 : i32
    %dma_start3A_46 = tpu.memref_slice %arg3[%add3A_39, %dma_start3A_45] : memref<4096x12800xf32, #tpu.memory_space<hbm>> -> memref<8x12800xf32, #tpu.memory_space<hbm>>
    tpu.enqueue_dma source(%arg4 : memref<8x12800xf32, #tpu.memory_space<vmem>>) target(%dma_start3A_46 : memref<8x12800xf32, #tpu.memory_space<hbm>>) target_semaphore(%dma_start3A_44 : memref<!tpu.dma_semaphore, #tpu.memory_space<semaphore_mem>>)
    %dma_wait3A = arith.constant 0 : i32
    %dma_wait3A_47 = arith.constant 0 : i32
    %dma_wait3A_48 = tpu.memref_slice %arg3[%add3A_4, %dma_wait3A_47] : memref<4096x12800xf32, #tpu.memory_space<hbm>> -> memref<8x12800xf32, #tpu.memory_space<hbm>>
    %dma_wait3A_49 = tpu.memref_slice %arg5[%dma_wait3A] : memref<4x!tpu.dma_semaphore, #tpu.memory_space<semaphore_mem>> -> memref<1x!tpu.dma_semaphore, #tpu.memory_space<semaphore_mem>>
    %dma_wait3A_50 = tpu.memref_squeeze %dma_wait3A_49 : memref<1x!tpu.dma_semaphore, #tpu.memory_space<semaphore_mem>> -> memref<!tpu.dma_semaphore, #tpu.memory_space<semaphore_mem>>
    %dma_wait3A_51 = arith.constant 0 : i32
    %dma_wait3A_52 = tpu.memref_slice %arg3[%add3A_4, %dma_wait3A_51] : memref<4096x12800xf32, #tpu.memory_space<hbm>> -> memref<8x12800xf32, #tpu.memory_space<hbm>>
    tpu.wait_dma2 semaphore(%dma_wait3A_50 : memref<!tpu.dma_semaphore, #tpu.memory_space<semaphore_mem>>) src(%arg4 : memref<8x12800xf32, #tpu.memory_space<vmem>>) dst(%dma_wait3A_52 : memref<8x12800xf32, #tpu.memory_space<hbm>>)
    %add3A_53 = arith.constant 40 : i32
    %add3A_54 = arith.addi %mul3A_2, %add3A_53 : i32
    %dma_start3A_55 = arith.constant 1 : i32
    %dma_start3A_56 = arith.constant 0 : i32
    %dma_start3A_57 = tpu.memref_slice %arg3[%add3A_54, %dma_start3A_56] : memref<4096x12800xf32, #tpu.memory_space<hbm>> -> memref<8x12800xf32, #tpu.memory_space<hbm>>
    %dma_start3A_58 = tpu.memref_slice %arg5[%dma_start3A_55] : memref<4x!tpu.dma_semaphore, #tpu.memory_space<semaphore_mem>> -> memref<1x!tpu.dma_semaphore, #tpu.memory_space<semaphore_mem>>
    %dma_start3A_59 = tpu.memref_squeeze %dma_start3A_58 : memref<1x!tpu.dma_semaphore, #tpu.memory_space<semaphore_mem>> -> memref<!tpu.dma_semaphore, #tpu.memory_space<semaphore_mem>>
    %dma_start3A_60 = arith.constant 0 : i32
    %dma_start3A_61 = tpu.memref_slice %arg3[%add3A_54, %dma_start3A_60] : memref<4096x12800xf32, #tpu.memory_space<hbm>> -> memref<8x12800xf32, #tpu.memory_space<hbm>>
    tpu.enqueue_dma source(%arg4 : memref<8x12800xf32, #tpu.memory_space<vmem>>) target(%dma_start3A_61 : memref<8x12800xf32, #tpu.memory_space<hbm>>) target_semaphore(%dma_start3A_59 : memref<!tpu.dma_semaphore, #tpu.memory_space<semaphore_mem>>)
    %dma_wait3A_62 = arith.constant 1 : i32
    %dma_wait3A_63 = arith.constant 0 : i32
    %dma_wait3A_64 = tpu.memref_slice %arg3[%add3A_12, %dma_wait3A_63] : memref<4096x12800xf32, #tpu.memory_space<hbm>> -> memref<8x12800xf32, #tpu.memory_space<hbm>>
    %dma_wait3A_65 = tpu.memref_slice %arg5[%dma_wait3A_62] : memref<4x!tpu.dma_semaphore, #tpu.memory_space<semaphore_mem>> -> memref<1x!tpu.dma_semaphore, #tpu.memory_space<semaphore_mem>>
    %dma_wait3A_66 = tpu.memref_squeeze %dma_wait3A_65 : memref<1x!tpu.dma_semaphore, #tpu.memory_space<semaphore_mem>> -> memref<!tpu.dma_semaphore, #tpu.memory_space<semaphore_mem>>
    %dma_wait3A_67 = arith.constant 0 : i32
    %dma_wait3A_68 = tpu.memref_slice %arg3[%add3A_12, %dma_wait3A_67] : memref<4096x12800xf32, #tpu.memory_space<hbm>> -> memref<8x12800xf32, #tpu.memory_space<hbm>>
    tpu.wait_dma2 semaphore(%dma_wait3A_66 : memref<!tpu.dma_semaphore, #tpu.memory_space<semaphore_mem>>) src(%arg4 : memref<8x12800xf32, #tpu.memory_space<vmem>>) dst(%dma_wait3A_68 : memref<8x12800xf32, #tpu.memory_space<hbm>>)
    %add3A_69 = arith.constant 48 : i32
    %add3A_70 = arith.addi %mul3A_2, %add3A_69 : i32
    %dma_start3A_71 = arith.constant 2 : i32
    %dma_start3A_72 = arith.constant 0 : i32
    %dma_start3A_73 = tpu.memref_slice %arg3[%add3A_70, %dma_start3A_72] : memref<4096x12800xf32, #tpu.memory_space<hbm>> -> memref<8x12800xf32, #tpu.memory_space<hbm>>
    %dma_start3A_74 = tpu.memref_slice %arg5[%dma_start3A_71] : memref<4x!tpu.dma_semaphore, #tpu.memory_space<semaphore_mem>> -> memref<1x!tpu.dma_semaphore, #tpu.memory_space<semaphore_mem>>
    %dma_start3A_75 = tpu.memref_squeeze %dma_start3A_74 : memref<1x!tpu.dma_semaphore, #tpu.memory_space<semaphore_mem>> -> memref<!tpu.dma_semaphore, #tpu.memory_space<semaphore_mem>>
    %dma_start3A_76 = arith.constant 0 : i32
    %dma_start3A_77 = tpu.memref_slice %arg3[%add3A_70, %dma_start3A_76] : memref<4096x12800xf32, #tpu.memory_space<hbm>> -> memref<8x12800xf32, #tpu.memory_space<hbm>>
    tpu.enqueue_dma source(%arg4 : memref<8x12800xf32, #tpu.memory_space<vmem>>) target(%dma_start3A_77 : memref<8x12800xf32, #tpu.memory_space<hbm>>) target_semaphore(%dma_start3A_75 : memref<!tpu.dma_semaphore, #tpu.memory_space<semaphore_mem>>)
    %dma_wait3A_78 = arith.constant 2 : i32
    %dma_wait3A_79 = arith.constant 0 : i32
    %dma_wait3A_80 = tpu.memref_slice %arg3[%add3A_21, %dma_wait3A_79] : memref<4096x12800xf32, #tpu.memory_space<hbm>> -> memref<8x12800xf32, #tpu.memory_space<hbm>>
    %dma_wait3A_81 = tpu.memref_slice %arg5[%dma_wait3A_78] : memref<4x!tpu.dma_semaphore, #tpu.memory_space<semaphore_mem>> -> memref<1x!tpu.dma_semaphore, #tpu.memory_space<semaphore_mem>>
    %dma_wait3A_82 = tpu.memref_squeeze %dma_wait3A_81 : memref<1x!tpu.dma_semaphore, #tpu.memory_space<semaphore_mem>> -> memref<!tpu.dma_semaphore, #tpu.memory_space<semaphore_mem>>
    %dma_wait3A_83 = arith.constant 0 : i32
    %dma_wait3A_84 = tpu.memref_slice %arg3[%add3A_21, %dma_wait3A_83] : memref<4096x12800xf32, #tpu.memory_space<hbm>> -> memref<8x12800xf32, #tpu.memory_space<hbm>>
    tpu.wait_dma2 semaphore(%dma_wait3A_82 : memref<!tpu.dma_semaphore, #tpu.memory_space<semaphore_mem>>) src(%arg4 : memref<8x12800xf32, #tpu.memory_space<vmem>>) dst(%dma_wait3A_84 : memref<8x12800xf32, #tpu.memory_space<hbm>>)
    %add3A_85 = arith.constant 56 : i32
    %add3A_86 = arith.addi %mul3A_2, %add3A_85 : i32
    %dma_start3A_87 = arith.constant 3 : i32
    %dma_start3A_88 = arith.constant 0 : i32
    %dma_start3A_89 = tpu.memref_slice %arg3[%add3A_86, %dma_start3A_88] : memref<4096x12800xf32, #tpu.memory_space<hbm>> -> memref<8x12800xf32, #tpu.memory_space<hbm>>
    %dma_start3A_90 = tpu.memref_slice %arg5[%dma_start3A_87] : memref<4x!tpu.dma_semaphore, #tpu.memory_space<semaphore_mem>> -> memref<1x!tpu.dma_semaphore, #tpu.memory_space<semaphore_mem>>
    %dma_start3A_91 = tpu.memref_squeeze %dma_start3A_90 : memref<1x!tpu.dma_semaphore, #tpu.memory_space<semaphore_mem>> -> memref<!tpu.dma_semaphore, #tpu.memory_space<semaphore_mem>>
    %dma_start3A_92 = arith.constant 0 : i32
    %dma_start3A_93 = tpu.memref_slice %arg3[%add3A_86, %dma_start3A_92] : memref<4096x12800xf32, #tpu.memory_space<hbm>> -> memref<8x12800xf32, #tpu.memory_space<hbm>>
    tpu.enqueue_dma source(%arg4 : memref<8x12800xf32, #tpu.memory_space<vmem>>) target(%dma_start3A_93 : memref<8x12800xf32, #tpu.memory_space<hbm>>) target_semaphore(%dma_start3A_91 : memref<!tpu.dma_semaphore, #tpu.memory_space<semaphore_mem>>)
    %dma_wait3A_94 = arith.constant 3 : i32
    %dma_wait3A_95 = arith.constant 0 : i32
    %dma_wait3A_96 = tpu.memref_slice %arg3[%add3A_30, %dma_wait3A_95] : memref<4096x12800xf32, #tpu.memory_space<hbm>> -> memref<8x12800xf32, #tpu.memory_space<hbm>>
    %dma_wait3A_97 = tpu.memref_slice %arg5[%dma_wait3A_94] : memref<4x!tpu.dma_semaphore, #tpu.memory_space<semaphore_mem>> -> memref<1x!tpu.dma_semaphore, #tpu.memory_space<semaphore_mem>>
    %dma_wait3A_98 = tpu.memref_squeeze %dma_wait3A_97 : memref<1x!tpu.dma_semaphore, #tpu.memory_space<semaphore_mem>> -> memref<!tpu.dma_semaphore, #tpu.memory_space<semaphore_mem>>
    %dma_wait3A_99 = arith.constant 0 : i32
    %dma_wait3A_100 = tpu.memref_slice %arg3[%add3A_30, %dma_wait3A_99] : memref<4096x12800xf32, #tpu.memory_space<hbm>> -> memref<8x12800xf32, #tpu.memory_space<hbm>>
    tpu.wait_dma2 semaphore(%dma_wait3A_98 : memref<!tpu.dma_semaphore, #tpu.memory_space<semaphore_mem>>) src(%arg4 : memref<8x12800xf32, #tpu.memory_space<vmem>>) dst(%dma_wait3A_100 : memref<8x12800xf32, #tpu.memory_space<hbm>>)
    %add3A_101 = arith.constant 64 : i32
    %add3A_102 = arith.addi %mul3A_2, %add3A_101 : i32
    %dma_start3A_103 = arith.constant 0 : i32
    %dma_start3A_104 = arith.constant 0 : i32
    %dma_start3A_105 = tpu.memref_slice %arg3[%add3A_102, %dma_start3A_104] : memref<4096x12800xf32, #tpu.memory_space<hbm>> -> memref<8x12800xf32, #tpu.memory_space<hbm>>
    %dma_start3A_106 = tpu.memref_slice %arg5[%dma_start3A_103] : memref<4x!tpu.dma_semaphore, #tpu.memory_space<semaphore_mem>> -> memref<1x!tpu.dma_semaphore, #tpu.memory_space<semaphore_mem>>
    %dma_start3A_107 = tpu.memref_squeeze %dma_start3A_106 : memref<1x!tpu.dma_semaphore, #tpu.memory_space<semaphore_mem>> -> memref<!tpu.dma_semaphore, #tpu.memory_space<semaphore_mem>>
    %dma_start3A_108 = arith.constant 0 : i32
    %dma_start3A_109 = tpu.memref_slice %arg3[%add3A_102, %dma_start3A_108] : memref<4096x12800xf32, #tpu.memory_space<hbm>> -> memref<8x12800xf32, #tpu.memory_space<hbm>>
    tpu.enqueue_dma source(%arg4 : memref<8x12800xf32, #tpu.memory_space<vmem>>) target(%dma_start3A_109 : memref<8x12800xf32, #tpu.memory_space<hbm>>) target_semaphore(%dma_start3A_107 : memref<!tpu.dma_semaphore, #tpu.memory_space<semaphore_mem>>)
    %dma_wait3A_110 = arith.constant 0 : i32
    %dma_wait3A_111 = arith.constant 0 : i32
    %dma_wait3A_112 = tpu.memref_slice %arg3[%add3A_39, %dma_wait3A_111] : memref<4096x12800xf32, #tpu.memory_space<hbm>> -> memref<8x12800xf32, #tpu.memory_space<hbm>>
    %dma_wait3A_113 = tpu.memref_slice %arg5[%dma_wait3A_110] : memref<4x!tpu.dma_semaphore, #tpu.memory_space<semaphore_mem>> -> memref<1x!tpu.dma_semaphore, #tpu.memory_space<semaphore_mem>>
    %dma_wait3A_114 = tpu.memref_squeeze %dma_wait3A_113 : memref<1x!tpu.dma_semaphore, #tpu.memory_space<semaphore_mem>> -> memref<!tpu.dma_semaphore, #tpu.memory_space<semaphore_mem>>
    %dma_wait3A_115 = arith.constant 0 : i32
    %dma_wait3A_116 = tpu.memref_slice %arg3[%add3A_39, %dma_wait3A_115] : memref<4096x12800xf32, #tpu.memory_space<hbm>> -> memref<8x12800xf32, #tpu.memory_space<hbm>>
    tpu.wait_dma2 semaphore(%dma_wait3A_114 : memref<!tpu.dma_semaphore, #tpu.memory_space<semaphore_mem>>) src(%arg4 : memref<8x12800xf32, #tpu.memory_space<vmem>>) dst(%dma_wait3A_116 : memref<8x12800xf32, #tpu.memory_space<hbm>>)
    %add3A_117 = arith.constant 72 : i32
    %add3A_118 = arith.addi %mul3A_2, %add3A_117 : i32
    %dma_start3A_119 = arith.constant 1 : i32
    %dma_start3A_120 = arith.constant 0 : i32
    %dma_start3A_121 = tpu.memref_slice %arg3[%add3A_118, %dma_start3A_120] : memref<4096x12800xf32, #tpu.memory_space<hbm>> -> memref<8x12800xf32, #tpu.memory_space<hbm>>
    %dma_start3A_122 = tpu.memref_slice %arg5[%dma_start3A_119] : memref<4x!tpu.dma_semaphore, #tpu.memory_space<semaphore_mem>> -> memref<1x!tpu.dma_semaphore, #tpu.memory_space<semaphore_mem>>
    %dma_start3A_123 = tpu.memref_squeeze %dma_start3A_122 : memref<1x!tpu.dma_semaphore, #tpu.memory_space<semaphore_mem>> -> memref<!tpu.dma_semaphore, #tpu.memory_space<semaphore_mem>>
    %dma_start3A_124 = arith.constant 0 : i32
    %dma_start3A_125 = tpu.memref_slice %arg3[%add3A_118, %dma_start3A_124] : memref<4096x12800xf32, #tpu.memory_space<hbm>> -> memref<8x12800xf32, #tpu.memory_space<hbm>>
    tpu.enqueue_dma source(%arg4 : memref<8x12800xf32, #tpu.memory_space<vmem>>) target(%dma_start3A_125 : memref<8x12800xf32, #tpu.memory_space<hbm>>) target_semaphore(%dma_start3A_123 : memref<!tpu.dma_semaphore, #tpu.memory_space<semaphore_mem>>)
    %dma_wait3A_126 = arith.constant 1 : i32
    %dma_wait3A_127 = arith.constant 0 : i32
    %dma_wait3A_128 = tpu.memref_slice %arg3[%add3A_54, %dma_wait3A_127] : memref<4096x12800xf32, #tpu.memory_space<hbm>> -> memref<8x12800xf32, #tpu.memory_space<hbm>>
    %dma_wait3A_129 = tpu.memref_slice %arg5[%dma_wait3A_126] : memref<4x!tpu.dma_semaphore, #tpu.memory_space<semaphore_mem>> -> memref<1x!tpu.dma_semaphore, #tpu.memory_space<semaphore_mem>>
    %dma_wait3A_130 = tpu.memref_squeeze %dma_wait3A_129 : memref<1x!tpu.dma_semaphore, #tpu.memory_space<semaphore_mem>> -> memref<!tpu.dma_semaphore, #tpu.memory_space<semaphore_mem>>
    %dma_wait3A_131 = arith.constant 0 : i32
    %dma_wait3A_132 = tpu.memref_slice %arg3[%add3A_54, %dma_wait3A_131] : memref<4096x12800xf32, #tpu.memory_space<hbm>> -> memref<8x12800xf32, #tpu.memory_space<hbm>>
    tpu.wait_dma2 semaphore(%dma_wait3A_130 : memref<!tpu.dma_semaphore, #tpu.memory_space<semaphore_mem>>) src(%arg4 : memref<8x12800xf32, #tpu.memory_space<vmem>>) dst(%dma_wait3A_132 : memref<8x12800xf32, #tpu.memory_space<hbm>>)
    %add3A_133 = arith.constant 80 : i32
    %add3A_134 = arith.addi %mul3A_2, %add3A_133 : i32
    %dma_start3A_135 = arith.constant 2 : i32
    %dma_start3A_136 = arith.constant 0 : i32
    %dma_start3A_137 = tpu.memref_slice %arg3[%add3A_134, %dma_start3A_136] : memref<4096x12800xf32, #tpu.memory_space<hbm>> -> memref<8x12800xf32, #tpu.memory_space<hbm>>
    %dma_start3A_138 = tpu.memref_slice %arg5[%dma_start3A_135] : memref<4x!tpu.dma_semaphore, #tpu.memory_space<semaphore_mem>> -> memref<1x!tpu.dma_semaphore, #tpu.memory_space<semaphore_mem>>
    %dma_start3A_139 = tpu.memref_squeeze %dma_start3A_138 : memref<1x!tpu.dma_semaphore, #tpu.memory_space<semaphore_mem>> -> memref<!tpu.dma_semaphore, #tpu.memory_space<semaphore_mem>>
    %dma_start3A_140 = arith.constant 0 : i32
    %dma_start3A_141 = tpu.memref_slice %arg3[%add3A_134, %dma_start3A_140] : memref<4096x12800xf32, #tpu.memory_space<hbm>> -> memref<8x12800xf32, #tpu.memory_space<hbm>>
    tpu.enqueue_dma source(%arg4 : memref<8x12800xf32, #tpu.memory_space<vmem>>) target(%dma_start3A_141 : memref<8x12800xf32, #tpu.memory_space<hbm>>) target_semaphore(%dma_start3A_139 : memref<!tpu.dma_semaphore, #tpu.memory_space<semaphore_mem>>)
    %dma_wait3A_142 = arith.constant 2 : i32
    %dma_wait3A_143 = arith.constant 0 : i32
    %dma_wait3A_144 = tpu.memref_slice %arg3[%add3A_70, %dma_wait3A_143] : memref<4096x12800xf32, #tpu.memory_space<hbm>> -> memref<8x12800xf32, #tpu.memory_space<hbm>>
    %dma_wait3A_145 = tpu.memref_slice %arg5[%dma_wait3A_142] : memref<4x!tpu.dma_semaphore, #tpu.memory_space<semaphore_mem>> -> memref<1x!tpu.dma_semaphore, #tpu.memory_space<semaphore_mem>>
    %dma_wait3A_146 = tpu.memref_squeeze %dma_wait3A_145 : memref<1x!tpu.dma_semaphore, #tpu.memory_space<semaphore_mem>> -> memref<!tpu.dma_semaphore, #tpu.memory_space<semaphore_mem>>
    %dma_wait3A_147 = arith.constant 0 : i32
    %dma_wait3A_148 = tpu.memref_slice %arg3[%add3A_70, %dma_wait3A_147] : memref<4096x12800xf32, #tpu.memory_space<hbm>> -> memref<8x12800xf32, #tpu.memory_space<hbm>>
    tpu.wait_dma2 semaphore(%dma_wait3A_146 : memref<!tpu.dma_semaphore, #tpu.memory_space<semaphore_mem>>) src(%arg4 : memref<8x12800xf32, #tpu.memory_space<vmem>>) dst(%dma_wait3A_148 : memref<8x12800xf32, #tpu.memory_space<hbm>>)
    %add3A_149 = arith.constant 88 : i32
    %add3A_150 = arith.addi %mul3A_2, %add3A_149 : i32
    %dma_start3A_151 = arith.constant 3 : i32
    %dma_start3A_152 = arith.constant 0 : i32
    %dma_start3A_153 = tpu.memref_slice %arg3[%add3A_150, %dma_start3A_152] : memref<4096x12800xf32, #tpu.memory_space<hbm>> -> memref<8x12800xf32, #tpu.memory_space<hbm>>
    %dma_start3A_154 = tpu.memref_slice %arg5[%dma_start3A_151] : memref<4x!tpu.dma_semaphore, #tpu.memory_space<semaphore_mem>> -> memref<1x!tpu.dma_semaphore, #tpu.memory_space<semaphore_mem>>
    %dma_start3A_155 = tpu.memref_squeeze %dma_start3A_154 : memref<1x!tpu.dma_semaphore, #tpu.memory_space<semaphore_mem>> -> memref<!tpu.dma_semaphore, #tpu.memory_space<semaphore_mem>>
    %dma_start3A_156 = arith.constant 0 : i32
    %dma_start3A_157 = tpu.memref_slice %arg3[%add3A_150, %dma_start3A_156] : memref<4096x12800xf32, #tpu.memory_space<hbm>> -> memref<8x12800xf32, #tpu.memory_space<hbm>>
    tpu.enqueue_dma source(%arg4 : memref<8x12800xf32, #tpu.memory_space<vmem>>) target(%dma_start3A_157 : memref<8x12800xf32, #tpu.memory_space<hbm>>) target_semaphore(%dma_start3A_155 : memref<!tpu.dma_semaphore, #tpu.memory_space<semaphore_mem>>)
    %dma_wait3A_158 = arith.constant 3 : i32
    %dma_wait3A_159 = arith.constant 0 : i32
    %dma_wait3A_160 = tpu.memref_slice %arg3[%add3A_86, %dma_wait3A_159] : memref<4096x12800xf32, #tpu.memory_space<hbm>> -> memref<8x12800xf32, #tpu.memory_space<hbm>>
    %dma_wait3A_161 = tpu.memref_slice %arg5[%dma_wait3A_158] : memref<4x!tpu.dma_semaphore, #tpu.memory_space<semaphore_mem>> -> memref<1x!tpu.dma_semaphore, #tpu.memory_space<semaphore_mem>>
    %dma_wait3A_162 = tpu.memref_squeeze %dma_wait3A_161 : memref<1x!tpu.dma_semaphore, #tpu.memory_space<semaphore_mem>> -> memref<!tpu.dma_semaphore, #tpu.memory_space<semaphore_mem>>
    %dma_wait3A_163 = arith.constant 0 : i32
    %dma_wait3A_164 = tpu.memref_slice %arg3[%add3A_86, %dma_wait3A_163] : memref<4096x12800xf32, #tpu.memory_space<hbm>> -> memref<8x12800xf32, #tpu.memory_space<hbm>>
    tpu.wait_dma2 semaphore(%dma_wait3A_162 : memref<!tpu.dma_semaphore, #tpu.memory_space<semaphore_mem>>) src(%arg4 : memref<8x12800xf32, #tpu.memory_space<vmem>>) dst(%dma_wait3A_164 : memref<8x12800xf32, #tpu.memory_space<hbm>>)
    %add3A_165 = arith.constant 96 : i32
    %add3A_166 = arith.addi %mul3A_2, %add3A_165 : i32
    %dma_start3A_167 = arith.constant 0 : i32
    %dma_start3A_168 = arith.constant 0 : i32
    %dma_start3A_169 = tpu.memref_slice %arg3[%add3A_166, %dma_start3A_168] : memref<4096x12800xf32, #tpu.memory_space<hbm>> -> memref<8x12800xf32, #tpu.memory_space<hbm>>
    %dma_start3A_170 = tpu.memref_slice %arg5[%dma_start3A_167] : memref<4x!tpu.dma_semaphore, #tpu.memory_space<semaphore_mem>> -> memref<1x!tpu.dma_semaphore, #tpu.memory_space<semaphore_mem>>
    %dma_start3A_171 = tpu.memref_squeeze %dma_start3A_170 : memref<1x!tpu.dma_semaphore, #tpu.memory_space<semaphore_mem>> -> memref<!tpu.dma_semaphore, #tpu.memory_space<semaphore_mem>>
    %dma_start3A_172 = arith.constant 0 : i32
    %dma_start3A_173 = tpu.memref_slice %arg3[%add3A_166, %dma_start3A_172] : memref<4096x12800xf32, #tpu.memory_space<hbm>> -> memref<8x12800xf32, #tpu.memory_space<hbm>>
    tpu.enqueue_dma source(%arg4 : memref<8x12800xf32, #tpu.memory_space<vmem>>) target(%dma_start3A_173 : memref<8x12800xf32, #tpu.memory_space<hbm>>) target_semaphore(%dma_start3A_171 : memref<!tpu.dma_semaphore, #tpu.memory_space<semaphore_mem>>)
    %dma_wait3A_174 = arith.constant 0 : i32
    %dma_wait3A_175 = arith.constant 0 : i32
    %dma_wait3A_176 = tpu.memref_slice %arg3[%add3A_102, %dma_wait3A_175] : memref<4096x12800xf32, #tpu.memory_space<hbm>> -> memref<8x12800xf32, #tpu.memory_space<hbm>>
    %dma_wait3A_177 = tpu.memref_slice %arg5[%dma_wait3A_174] : memref<4x!tpu.dma_semaphore, #tpu.memory_space<semaphore_mem>> -> memref<1x!tpu.dma_semaphore, #tpu.memory_space<semaphore_mem>>
    %dma_wait3A_178 = tpu.memref_squeeze %dma_wait3A_177 : memref<1x!tpu.dma_semaphore, #tpu.memory_space<semaphore_mem>> -> memref<!tpu.dma_semaphore, #tpu.memory_space<semaphore_mem>>
    %dma_wait3A_179 = arith.constant 0 : i32
    %dma_wait3A_180 = tpu.memref_slice %arg3[%add3A_102, %dma_wait3A_179] : memref<4096x12800xf32, #tpu.memory_space<hbm>> -> memref<8x12800xf32, #tpu.memory_space<hbm>>
    tpu.wait_dma2 semaphore(%dma_wait3A_178 : memref<!tpu.dma_semaphore, #tpu.memory_space<semaphore_mem>>) src(%arg4 : memref<8x12800xf32, #tpu.memory_space<vmem>>) dst(%dma_wait3A_180 : memref<8x12800xf32, #tpu.memory_space<hbm>>)
    %add3A_181 = arith.constant 104 : i32
    %add3A_182 = arith.addi %mul3A_2, %add3A_181 : i32
    %dma_start3A_183 = arith.constant 1 : i32
    %dma_start3A_184 = arith.constant 0 : i32
    %dma_start3A_185 = tpu.memref_slice %arg3[%add3A_182, %dma_start3A_184] : memref<4096x12800xf32, #tpu.memory_space<hbm>> -> memref<8x12800xf32, #tpu.memory_space<hbm>>
    %dma_start3A_186 = tpu.memref_slice %arg5[%dma_start3A_183] : memref<4x!tpu.dma_semaphore, #tpu.memory_space<semaphore_mem>> -> memref<1x!tpu.dma_semaphore, #tpu.memory_space<semaphore_mem>>
    %dma_start3A_187 = tpu.memref_squeeze %dma_start3A_186 : memref<1x!tpu.dma_semaphore, #tpu.memory_space<semaphore_mem>> -> memref<!tpu.dma_semaphore, #tpu.memory_space<semaphore_mem>>
    %dma_start3A_188 = arith.constant 0 : i32
    %dma_start3A_189 = tpu.memref_slice %arg3[%add3A_182, %dma_start3A_188] : memref<4096x12800xf32, #tpu.memory_space<hbm>> -> memref<8x12800xf32, #tpu.memory_space<hbm>>
    tpu.enqueue_dma source(%arg4 : memref<8x12800xf32, #tpu.memory_space<vmem>>) target(%dma_start3A_189 : memref<8x12800xf32, #tpu.memory_space<hbm>>) target_semaphore(%dma_start3A_187 : memref<!tpu.dma_semaphore, #tpu.memory_space<semaphore_mem>>)
    %dma_wait3A_190 = arith.constant 1 : i32
    %dma_wait3A_191 = arith.constant 0 : i32
    %dma_wait3A_192 = tpu.memref_slice %arg3[%add3A_118, %dma_wait3A_191] : memref<4096x12800xf32, #tpu.memory_space<hbm>> -> memref<8x12800xf32, #tpu.memory_space<hbm>>
    %dma_wait3A_193 = tpu.memref_slice %arg5[%dma_wait3A_190] : memref<4x!tpu.dma_semaphore, #tpu.memory_space<semaphore_mem>> -> memref<1x!tpu.dma_semaphore, #tpu.memory_space<semaphore_mem>>
    %dma_wait3A_194 = tpu.memref_squeeze %dma_wait3A_193 : memref<1x!tpu.dma_semaphore, #tpu.memory_space<semaphore_mem>> -> memref<!tpu.dma_semaphore, #tpu.memory_space<semaphore_mem>>
    %dma_wait3A_195 = arith.constant 0 : i32
    %dma_wait3A_196 = tpu.memref_slice %arg3[%add3A_118, %dma_wait3A_195] : memref<4096x12800xf32, #tpu.memory_space<hbm>> -> memref<8x12800xf32, #tpu.memory_space<hbm>>
    tpu.wait_dma2 semaphore(%dma_wait3A_194 : memref<!tpu.dma_semaphore, #tpu.memory_space<semaphore_mem>>) src(%arg4 : memref<8x12800xf32, #tpu.memory_space<vmem>>) dst(%dma_wait3A_196 : memref<8x12800xf32, #tpu.memory_space<hbm>>)
    %add3A_197 = arith.constant 112 : i32
    %add3A_198 = arith.addi %mul3A_2, %add3A_197 : i32
    %dma_start3A_199 = arith.constant 2 : i32
    %dma_start3A_200 = arith.constant 0 : i32
    %dma_start3A_201 = tpu.memref_slice %arg3[%add3A_198, %dma_start3A_200] : memref<4096x12800xf32, #tpu.memory_space<hbm>> -> memref<8x12800xf32, #tpu.memory_space<hbm>>
    %dma_start3A_202 = tpu.memref_slice %arg5[%dma_start3A_199] : memref<4x!tpu.dma_semaphore, #tpu.memory_space<semaphore_mem>> -> memref<1x!tpu.dma_semaphore, #tpu.memory_space<semaphore_mem>>
    %dma_start3A_203 = tpu.memref_squeeze %dma_start3A_202 : memref<1x!tpu.dma_semaphore, #tpu.memory_space<semaphore_mem>> -> memref<!tpu.dma_semaphore, #tpu.memory_space<semaphore_mem>>
    %dma_start3A_204 = arith.constant 0 : i32
    %dma_start3A_205 = tpu.memref_slice %arg3[%add3A_198, %dma_start3A_204] : memref<4096x12800xf32, #tpu.memory_space<hbm>> -> memref<8x12800xf32, #tpu.memory_space<hbm>>
    tpu.enqueue_dma source(%arg4 : memref<8x12800xf32, #tpu.memory_space<vmem>>) target(%dma_start3A_205 : memref<8x12800xf32, #tpu.memory_space<hbm>>) target_semaphore(%dma_start3A_203 : memref<!tpu.dma_semaphore, #tpu.memory_space<semaphore_mem>>)
    %dma_wait3A_206 = arith.constant 2 : i32
    %dma_wait3A_207 = arith.constant 0 : i32
    %dma_wait3A_208 = tpu.memref_slice %arg3[%add3A_134, %dma_wait3A_207] : memref<4096x12800xf32, #tpu.memory_space<hbm>> -> memref<8x12800xf32, #tpu.memory_space<hbm>>
    %dma_wait3A_209 = tpu.memref_slice %arg5[%dma_wait3A_206] : memref<4x!tpu.dma_semaphore, #tpu.memory_space<semaphore_mem>> -> memref<1x!tpu.dma_semaphore, #tpu.memory_space<semaphore_mem>>
    %dma_wait3A_210 = tpu.memref_squeeze %dma_wait3A_209 : memref<1x!tpu.dma_semaphore, #tpu.memory_space<semaphore_mem>> -> memref<!tpu.dma_semaphore, #tpu.memory_space<semaphore_mem>>
    %dma_wait3A_211 = arith.constant 0 : i32
    %dma_wait3A_212 = tpu.memref_slice %arg3[%add3A_134, %dma_wait3A_211] : memref<4096x12800xf32, #tpu.memory_space<hbm>> -> memref<8x12800xf32, #tpu.memory_space<hbm>>
    tpu.wait_dma2 semaphore(%dma_wait3A_210 : memref<!tpu.dma_semaphore, #tpu.memory_space<semaphore_mem>>) src(%arg4 : memref<8x12800xf32, #tpu.memory_space<vmem>>) dst(%dma_wait3A_212 : memref<8x12800xf32, #tpu.memory_space<hbm>>)
    %add3A_213 = arith.constant 120 : i32
    %add3A_214 = arith.addi %mul3A_2, %add3A_213 : i32
    %dma_start3A_215 = arith.constant 3 : i32
    %dma_start3A_216 = arith.constant 0 : i32
    %dma_start3A_217 = tpu.memref_slice %arg3[%add3A_214, %dma_start3A_216] : memref<4096x12800xf32, #tpu.memory_space<hbm>> -> memref<8x12800xf32, #tpu.memory_space<hbm>>
    %dma_start3A_218 = tpu.memref_slice %arg5[%dma_start3A_215] : memref<4x!tpu.dma_semaphore, #tpu.memory_space<semaphore_mem>> -> memref<1x!tpu.dma_semaphore, #tpu.memory_space<semaphore_mem>>
    %dma_start3A_219 = tpu.memref_squeeze %dma_start3A_218 : memref<1x!tpu.dma_semaphore, #tpu.memory_space<semaphore_mem>> -> memref<!tpu.dma_semaphore, #tpu.memory_space<semaphore_mem>>
    %dma_start3A_220 = arith.constant 0 : i32
    %dma_start3A_221 = tpu.memref_slice %arg3[%add3A_214, %dma_start3A_220] : memref<4096x12800xf32, #tpu.memory_space<hbm>> -> memref<8x12800xf32, #tpu.memory_space<hbm>>
    tpu.enqueue_dma source(%arg4 : memref<8x12800xf32, #tpu.memory_space<vmem>>) target(%dma_start3A_221 : memref<8x12800xf32, #tpu.memory_space<hbm>>) target_semaphore(%dma_start3A_219 : memref<!tpu.dma_semaphore, #tpu.memory_space<semaphore_mem>>)
    %dma_wait3A_222 = arith.constant 3 : i32
    %dma_wait3A_223 = arith.constant 0 : i32
    %dma_wait3A_224 = tpu.memref_slice %arg3[%add3A_150, %dma_wait3A_223] : memref<4096x12800xf32, #tpu.memory_space<hbm>> -> memref<8x12800xf32, #tpu.memory_space<hbm>>
    %dma_wait3A_225 = tpu.memref_slice %arg5[%dma_wait3A_222] : memref<4x!tpu.dma_semaphore, #tpu.memory_space<semaphore_mem>> -> memref<1x!tpu.dma_semaphore, #tpu.memory_space<semaphore_mem>>
    %dma_wait3A_226 = tpu.memref_squeeze %dma_wait3A_225 : memref<1x!tpu.dma_semaphore, #tpu.memory_space<semaphore_mem>> -> memref<!tpu.dma_semaphore, #tpu.memory_space<semaphore_mem>>
    %dma_wait3A_227 = arith.constant 0 : i32
    %dma_wait3A_228 = tpu.memref_slice %arg3[%add3A_150, %dma_wait3A_227] : memref<4096x12800xf32, #tpu.memory_space<hbm>> -> memref<8x12800xf32, #tpu.memory_space<hbm>>
    tpu.wait_dma2 semaphore(%dma_wait3A_226 : memref<!tpu.dma_semaphore, #tpu.memory_space<semaphore_mem>>) src(%arg4 : memref<8x12800xf32, #tpu.memory_space<vmem>>) dst(%dma_wait3A_228 : memref<8x12800xf32, #tpu.memory_space<hbm>>)
    %dma_wait3A_229 = arith.constant 0 : i32
    %dma_wait3A_230 = arith.constant 0 : i32
    %dma_wait3A_231 = tpu.memref_slice %arg3[%add3A_166, %dma_wait3A_230] : memref<4096x12800xf32, #tpu.memory_space<hbm>> -> memref<8x12800xf32, #tpu.memory_space<hbm>>
    %dma_wait3A_232 = tpu.memref_slice %arg5[%dma_wait3A_229] : memref<4x!tpu.dma_semaphore, #tpu.memory_space<semaphore_mem>> -> memref<1x!tpu.dma_semaphore, #tpu.memory_space<semaphore_mem>>
    %dma_wait3A_233 = tpu.memref_squeeze %dma_wait3A_232 : memref<1x!tpu.dma_semaphore, #tpu.memory_space<semaphore_mem>> -> memref<!tpu.dma_semaphore, #tpu.memory_space<semaphore_mem>>
    %dma_wait3A_234 = arith.constant 0 : i32
    %dma_wait3A_235 = tpu.memref_slice %arg3[%add3A_166, %dma_wait3A_234] : memref<4096x12800xf32, #tpu.memory_space<hbm>> -> memref<8x12800xf32, #tpu.memory_space<hbm>>
    tpu.wait_dma2 semaphore(%dma_wait3A_233 : memref<!tpu.dma_semaphore, #tpu.memory_space<semaphore_mem>>) src(%arg4 : memref<8x12800xf32, #tpu.memory_space<vmem>>) dst(%dma_wait3A_235 : memref<8x12800xf32, #tpu.memory_space<hbm>>)
    %dma_wait3A_236 = arith.constant 1 : i32
    %dma_wait3A_237 = arith.constant 0 : i32
    %dma_wait3A_238 = tpu.memref_slice %arg3[%add3A_182, %dma_wait3A_237] : memref<4096x12800xf32, #tpu.memory_space<hbm>> -> memref<8x12800xf32, #tpu.memory_space<hbm>>
    %dma_wait3A_239 = tpu.memref_slice %arg5[%dma_wait3A_236] : memref<4x!tpu.dma_semaphore, #tpu.memory_space<semaphore_mem>> -> memref<1x!tpu.dma_semaphore, #tpu.memory_space<semaphore_mem>>
    %dma_wait3A_240 = tpu.memref_squeeze %dma_wait3A_239 : memref<1x!tpu.dma_semaphore, #tpu.memory_space<semaphore_mem>> -> memref<!tpu.dma_semaphore, #tpu.memory_space<semaphore_mem>>
    %dma_wait3A_241 = arith.constant 0 : i32
    %dma_wait3A_242 = tpu.memref_slice %arg3[%add3A_182, %dma_wait3A_241] : memref<4096x12800xf32, #tpu.memory_space<hbm>> -> memref<8x12800xf32, #tpu.memory_space<hbm>>
    tpu.wait_dma2 semaphore(%dma_wait3A_240 : memref<!tpu.dma_semaphore, #tpu.memory_space<semaphore_mem>>) src(%arg4 : memref<8x12800xf32, #tpu.memory_space<vmem>>) dst(%dma_wait3A_242 : memref<8x12800xf32, #tpu.memory_space<hbm>>)
    %dma_wait3A_243 = arith.constant 2 : i32
    %dma_wait3A_244 = arith.constant 0 : i32
    %dma_wait3A_245 = tpu.memref_slice %arg3[%add3A_198, %dma_wait3A_244] : memref<4096x12800xf32, #tpu.memory_space<hbm>> -> memref<8x12800xf32, #tpu.memory_space<hbm>>
    %dma_wait3A_246 = tpu.memref_slice %arg5[%dma_wait3A_243] : memref<4x!tpu.dma_semaphore, #tpu.memory_space<semaphore_mem>> -> memref<1x!tpu.dma_semaphore, #tpu.memory_space<semaphore_mem>>
    %dma_wait3A_247 = tpu.memref_squeeze %dma_wait3A_246 : memref<1x!tpu.dma_semaphore, #tpu.memory_space<semaphore_mem>> -> memref<!tpu.dma_semaphore, #tpu.memory_space<semaphore_mem>>
    %dma_wait3A_248 = arith.constant 0 : i32
    %dma_wait3A_249 = tpu.memref_slice %arg3[%add3A_198, %dma_wait3A_248] : memref<4096x12800xf32, #tpu.memory_space<hbm>> -> memref<8x12800xf32, #tpu.memory_space<hbm>>
    tpu.wait_dma2 semaphore(%dma_wait3A_247 : memref<!tpu.dma_semaphore, #tpu.memory_space<semaphore_mem>>) src(%arg4 : memref<8x12800xf32, #tpu.memory_space<vmem>>) dst(%dma_wait3A_249 : memref<8x12800xf32, #tpu.memory_space<hbm>>)
    %dma_wait3A_250 = arith.constant 3 : i32
    %dma_wait3A_251 = arith.constant 0 : i32
    %dma_wait3A_252 = tpu.memref_slice %arg3[%add3A_214, %dma_wait3A_251] : memref<4096x12800xf32, #tpu.memory_space<hbm>> -> memref<8x12800xf32, #tpu.memory_space<hbm>>
    %dma_wait3A_253 = tpu.memref_slice %arg5[%dma_wait3A_250] : memref<4x!tpu.dma_semaphore, #tpu.memory_space<semaphore_mem>> -> memref<1x!tpu.dma_semaphore, #tpu.memory_space<semaphore_mem>>
    %dma_wait3A_254 = tpu.memref_squeeze %dma_wait3A_253 : memref<1x!tpu.dma_semaphore, #tpu.memory_space<semaphore_mem>> -> memref<!tpu.dma_semaphore, #tpu.memory_space<semaphore_mem>>
    %dma_wait3A_255 = arith.constant 0 : i32
    %dma_wait3A_256 = tpu.memref_slice %arg3[%add3A_214, %dma_wait3A_255] : memref<4096x12800xf32, #tpu.memory_space<hbm>> -> memref<8x12800xf32, #tpu.memory_space<hbm>>
    tpu.wait_dma2 semaphore(%dma_wait3A_254 : memref<!tpu.dma_semaphore, #tpu.memory_space<semaphore_mem>>) src(%arg4 : memref<8x12800xf32, #tpu.memory_space<vmem>>) dst(%dma_wait3A_256 : memref<8x12800xf32, #tpu.memory_space<hbm>>)
    return
  }
}

</mosaic_0001>

<sc_bundles>
// kernel: kernel.3.cloned.1.call-start
scs
__scs_entry_jumppad:
0x0: {  	(pc) =	sbr.rel $0x88, $3  }
0x1: {  	(tag) =	ssettag $0x0;
	lr =	simm.s32 $0x1  }
0x2: {  	[smem:$0x3FA0] =	sst lr;
	_ =	strace $0xD0000000  }
0x3: {  	_ = 	snop  }
0x4: {  	_ = 	snop  }
0x5: {  	_ = 	snop  }
0x6: {  	_ = 	snop  }
0x7: {  	_ = 	snop  }
__scs_overlays_trampoline_lowered:
0x8: {  	[smem:$0x3FAF] =	sst s0  }
0x9: {  	[smem:$0x3FB0] =	sst s1  }
0xa: {  	[smem:$0x3FB1] =	sst s2  }
0xb: {  	[smem:$0x3FB2] =	sst s3  }
0xc: {  	[smem:$0x3FB3] =	sst s4  }
0xd: {  	[smem:$0x3FB4] =	sst s5  }
0xe: {  	[smem:$0x3FB5] =	sst s6  }
0xf: {  	[smem:$0x3FB6] =	sst s7  }
0x10: {  	[smem:$0x3FB7] =	sst s8  }
0x11: {  	[smem:$0x3FB8] =	sst s9;
	s0 =	simm.s32 @!p0 $0x0  }
0x12: {  	s1 =	sld [smem:$0x3F9E];
	s0 =	simm.s32 @p0 $0x1  }
0x13: {  	[smem:$0x3FB9] =	sst s0;
	s0 =	simm.s32 @!p1 $0x0  }
0x14: {  	s2 =	sld [smem:$0x3F9D];
	s0 =	simm.s32 @p1 $0x1  }
0x15: {  	[smem:$0x3FBA] =	sst s0;
	s0 =	simm.s32 @!p2 $0x0  }
0x16: {  	s3 =	sld [smem:$0x3FDB];
	s0 =	simm.s32 @p2 $0x1  }
0x17: {  	s4 =	simm.s32 $0x1BF5;
	[smem:$0x3FBC] =	sst s0  }
0x18: {  	s0 =	sld [smem:$0x3F9F];
	_ =	swait.ge [sflag:s4], $0x0  }
0x19: {  	s7 =	sld [smem:$0x3FA0]  }
0x1a: {  	s8 =	sadd.s32 $0xFFFFE003, lr  }
0x1b: {  	s9 =	sadd.s32 $0xFFFFFEF7, lr;
	s5 =	simm.s32 $0xFFFFFFFF;
	p2 =	slt.u32 s8, $0xFFFFF086  }
0x1c: {  	p1 =	slt.u32 s9, $0xF7A;
	s5 =	simm.s32 @!p2 $0x0  }
0x1d: {  	s5 =	simm.s32 @p1 $0x1;
	p0 =	seq.s32 s7, s2  }
0x1e: {  	s7 =	smul.u32 @!p0 $0xF7A, s2;
	p2 =	seq.s32 @!p0 s5, $0x0  }
0x1f: {  	s9 =	smul.u32 $0xF7A, s1;
	s8 =	simm.s32 @!p0 $0x1BF5;
	p2 =	por !p2, p0  }
0x20: {  	[sflag:s8] =	ssyncset.s32 @!p0 $0xFFFFF086;
	s6 =	sadd.s32 @!p0 s3, s7;
	s7 =	simm.s32 @!p0 $0x108  }
0x21: {  	s3 =	sadd.s32 s3, s9;
	s6 =	sadd.s32 @!p0 $0x88, s6;
	s7 =	simm.s32 @p2 $0x1082  }
0x22: {  	[simem:s7], [sflag:s8] =	dma.local @!p0 [hbm:s6], $0xF7A  }
0x23: {  	s9 =	sor.u32 $0xD0000000, s2;
	s6 =	simm.s32 $0x108;
	_ =	swait.ge @!p0 [sflag:s8], $0x0  }
0x24: {  	s3 =	sadd.s32 $0x88, s3;
	s6 =	simm.s32 @!p1 $0x1082;
	[sflag:s4] =	ssyncset.s32 $0xFFFFF086  }
0x25: {  	[simem:s6], [sflag:s4] =	dma.local [hbm:s3], $0xF7A  }
0x26: {  	[smem:$0x3FA0] =	sst s1;
	(tag) =	ssettag s2;
	_ =	strace s9  }
0x27: {  	s1 =	sld [smem:$0x3FB0]  }
0x28: {  	s2 =	sld [smem:$0x3FB1]  }
0x29: {  	s4 =	sld [smem:$0x3FB3]  }
0x2a: {  	p0 =	seq.s32 s5, $0x0;
	s5 =	sld [smem:$0x3FB4]  }
0x2b: {  	s6 =	sld [smem:$0x3FB5]  }
0x2c: {  	s7 =	sld [smem:$0x3FB6]  }
0x2d: {  	s3 =	simm.s32 $0x108;
	s8 =	sld [smem:$0x3FB7]  }
0x2e: {  	s3 =	simm.s32 @!p0 $0x1082;
	s9 =	sld [smem:$0x3FB8]  }
0x2f: {  	lr =	sadd.s32 s0, s3;
	s0 =	sld [smem:$0x3FAF]  }
0x30: {  	s3 =	sld [smem:$0x3FB2]  }
0x31: {  	[smem:$0x3FBB] =	sst s10  }
0x32: {  	s10 =	sld [smem:$0x3FB9];
	_ =	sdelay $0x3  }
0x33: {  	p0 =	seq.s32 s10, $0x1;
	s10 =	sld [smem:$0x3FBB];
	_ =	sdelay $0x3  }
0x34: {  	[smem:$0x3FBB] =	sst s10  }
0x35: {  	s10 =	sld [smem:$0x3FBA];
	_ =	sdelay $0x3  }
0x36: {  	p1 =	seq.s32 s10, $0x1;
	s10 =	sld [smem:$0x3FBB];
	_ =	sdelay $0x3  }
0x37: {  	[smem:$0x3FBB] =	sst s10  }
0x38: {  	s10 =	sld [smem:$0x3FBC]  }
0x39: {  	_ = 	snop;
	(pc) =	sbr.ind lr, $3  }
0x3a: {  	_ = 	snop  }
0x3b: {  	_ = 	snop  }
0x3c: {  	p2 =	seq.s32 s10, $0x1;
	s10 =	sld [smem:$0x3FBB]  }
0x3d: {  	_ =	shalt  }
0x3e: {  	_ =	shalt  }
0x3f: {  	_ =	shalt  }
0x40: {  	_ =	shalt  }
0x41: {  	_ =	shalt  }
0x42: {  	_ =	shalt  }
0x43: {  	_ =	shalt  }
0x44: {  	_ =	shalt  }
0x45: {  	_ =	shalt  }
0x46: {  	_ =	shalt  }
0x47: {  	_ =	shalt  }
0x48: {  	_ =	shalt  }
0x49: {  	_ =	shalt  }
0x4a: {  	_ =	shalt  }
0x4b: {  	_ =	shalt  }
0x4c: {  	_ =	shalt  }
0x4d: {  	_ =	shalt  }
0x4e: {  	_ =	shalt  }
0x4f: {  	_ =	shalt  }
0x50: {  	_ =	shalt  }
0x51: {  	_ =	shalt  }
0x52: {  	_ =	shalt  }
0x53: {  	_ =	shalt  }
0x54: {  	_ =	shalt  }
0x55: {  	_ =	shalt  }
0x56: {  	_ =	shalt  }
0x57: {  	_ =	shalt  }
0x58: {  	_ =	shalt  }
0x59: {  	_ =	shalt  }
0x5a: {  	_ =	shalt  }
0x5b: {  	_ =	shalt  }
0x5c: {  	_ =	shalt  }
0x5d: {  	_ =	shalt  }
0x5e: {  	_ =	shalt  }
0x5f: {  	_ =	shalt  }
0x60: {  	_ =	shalt  }
0x61: {  	_ =	shalt  }
0x62: {  	_ =	shalt  }
0x63: {  	_ =	shalt  }
0x64: {  	_ =	shalt  }
0x65: {  	_ =	shalt  }
0x66: {  	_ =	shalt  }
0x67: {  	_ =	shalt  }
0x68: {  	_ =	shalt  }
0x69: {  	_ =	shalt  }
0x6a: {  	_ =	shalt  }
0x6b: {  	_ =	shalt  }
0x6c: {  	_ =	shalt  }
0x6d: {  	_ =	shalt  }
0x6e: {  	_ =	shalt  }
0x6f: {  	_ =	shalt  }
0x70: {  	_ =	shalt  }
0x71: {  	_ =	shalt  }
0x72: {  	_ =	shalt  }
0x73: {  	_ =	shalt  }
0x74: {  	_ =	shalt  }
0x75: {  	_ =	shalt  }
0x76: {  	_ =	shalt  }
0x77: {  	_ =	shalt  }
0x78: {  	_ =	shalt  }
0x79: {  	_ =	shalt  }
0x7a: {  	_ =	shalt  }
0x7b: {  	_ =	shalt  }
0x7c: {  	_ =	shalt  }
0x7d: {  	_ =	shalt  }
0x7e: {  	_ =	shalt  }
0x7f: {  	_ =	shalt  }
0x80: {  	_ =	shalt  }
0x81: {  	_ =	shalt  }
0x82: {  	_ =	shalt  }
0x83: {  	_ =	shalt  }
0x84: {  	_ =	shalt  }
0x85: {  	_ =	shalt  }
0x86: {  	_ =	shalt  }
0x87: {  	_ =	shalt  }
.Lfunc_end0:
.L_simem_size_0:
called_computation_lowered:
.L_overlay_start_0:
0x88: {  	s2 =	sld [smem:$0x3FD9]  }
0x89: {  	s3 =	sld [smem:$0x3FFE];
	_ =	sdelay $0x1  }
0x8a: {  	s1 =	srdreg.scid  }
0x8b: {  	s0 =	sand.u32 $0x1, s1  }
0x8c: {  	s17 =	sshll.u32 s0, $0xA;
	s2 =	sadd.s32 s3, s2  }
0x8d: {  	s2 =	sadd.s32 s2, s17  }
0x8e: {  	[smem:$0x3FC7] =	sst s2  }
0x8f: {  	_ = 	snop  }
0x90: {  	s2 =	sld [smem:$0x3FD0];
	(tm) =	ssettm $0x1  }
0x91: {  	s18 =	sld [smem:$0x3FFB];
	_ =	sdelay $0x3  }
0x92: {  	_ =	strace s18  }
0x93: {  	s3 =	sld [smem:$0x3FFC];
	_ =	sdelay $0x3  }
0x94: {  	_ =	strace s3  }
0x95: {  	s3 =	sld [smem:$0x3FFD];
	_ =	sdelay $0x3  }
0x96: {  	_ =	strace s3  }
0x97: {  	_ =	strace $0x8FFFFFFF  }
0x98: {  	s19 =	sld [smem:$0x3FDB];
	_ =	sdelay $0x1  }
0x99: {  	s4 =	simm.s32 $_scs_section_size  }
0x9a: {  	s5 =	simm.s32 $_size__tile_overlayer_lowered;
	s6 =	simm.s32 $_tile_overlayer_lowered  }
0x9b: {  	s22 =	simm.s32 $0x1BFF;
	s21 =	sshll.u32 s6, $0x1;
	s3 =	sadd.s32 s4, s19  }
0x9c: {  	s7 =	simm.s32 $0x0;
	s20 =	sshll.u32 s5, $0x1;
	s5 =	sadd.s32 s21, s3  }
0x9d: {  	[timem:s7], [sflag:s22] =	dma.local [hbm:s5], s20  }
0x9e: {  	_ =	swait.ge [sflag:s22], s20  }
0x9f: {  	s4 =	ssub.s32 $0x0, s20;
	[sflag:s22] =	ssyncset.done $0x0  }
0xa0: {  	[sflag:s22] =	ssyncadd.s32 s4;
	_ =	sdelay $0x1  }
0xa1: {  	s23 =	simm.s32 $0x1B8B  }
0xa2: {  	_ =	swait.ge [sflag:s23], $0x1  }
0xa3: {  	[sflag:s23] =	ssyncset.done $0x0  }
0xa4: {  	s25 =	simm.s32 $0x1B8E;
	s24 =	sld [smem:$0x3FFE];
	[sflag:s23] =	ssyncadd.s32 $0xFFFFFFFF  }
0xa5: {  	s26 =	simm.s32 $execute0_lowered;
	[smem:$0x3FD2] =	sst s25  }
0xa6: {  	s5 =	sshll.u32 s26, $0x1;
	_ =	strace $0x80000046;
	[dreg:$0x1] =	wrdreg $0xFFFFFFFF  }
0xa7: {  	s28 =	simm.s32 $_size_execute0_lowered;
	s3 =	sadd.s32 s3, s5;
	[dreg:$0x0] =	wrdreg $0x0  }
0xa8: {  	s5 =	sshll.u32 s28, $0x1;
	[dreg:$0x2] =	wrdreg s3  }
0xa9: {  	[dreg:$0x3] =	wrdreg s5  }
0xaa: {  	[dreg:$0x4] =	wrdreg $0xC0  }
0xab: {  	_ =	task [dreg:s7], $0x5FFFF  }
0xac: {  	[dreg:$0x1] =	wrdreg $0xFFFFFFFF  }
0xad: {  	[dreg:$0x0] =	wrdreg $0x60  }
0xae: {  	[dreg:$0x2] =	wrdreg s2  }
0xaf: {  	[dreg:$0x3] =	wrdreg s24  }
0xb0: {  	[dreg:$0x4] =	wrdreg $0x9  }
0xb1: {  	_ =	task.clear_ibuf [dreg:s7], $0x5FFFF;
	_ =	strace $0x90000046  }
0xb2: {  	s29 =	simm.s32 $0x9;
	_ =	strace $0x80000048  }
0xb3: {  	_ =	swait.ge [sflag:s29], $0x1  }
0xb4: {  	[sflag:s29] =	ssyncadd.s32 $0xFFFFFFFF  }
0xb5: {  	_ =	strace $0x90000048  }
0xb6: {  	_ =	sfence  }
0xb7: {  	s30 =	sld [smem:$0x0];
	_ =	sdelay $0x2  }
0xb8: {  	s31 =	sshll.u32 s1, $0xD;
	s1 =	sshrl.u32 s1, $0x2  }
0xb9: {  	s3 =	sand.u32 $0x4000, s31;
	s1 =	sadd.s32 s1, s30  }
0xba: {  	s0 =	sor.u32 s3, s0;
	s1 =	sshll.u32 s1, $0x11  }
0xbb: {  	s0 =	sor.u32 s1, s0  }
0xbc: {  	s0 =	sadd.s32 $0x8F2B, s0  }
0xbd: {  	[sflag:s0] =	ssyncadd.remote.s32 $0x1  }
0xbe: {  	_ =	sfence.sel $0xFFFF  }
0xbf: {  	[dreg:$0x0] =	wrdreg $0xFFFFFFFF;
	(pc) =	sbr.abs _section_cstart, $3  }
0xc0: {  	[dreg:$0x1] =	wrdreg $0xFFFFFFFF  }
0xc1: {  	_ =	task.clear_ibuf [dreg:s7], $0x2FFFF;
	_ =	strace $0x9FFFFFFF  }
0xc2: {  	(tm) =	ssettm $0x7FFFFFFF  }
0xc3: {  	_ =	shalt  }
tec
execute0_lowered:
.L_overlay_start_1:
0x0: {  	(tag) =	ssettag $0x1  }
0x1: {  	s1 =	srdreg.scid;
	s2 =	rddreg [dreg:$0x0]  }
0x2: {  	s0 =	stileid.u32;
	s5 =	rddreg [dreg:$0x1]  }
0x3: {  	s21 =	simm.s32 $0x5;
	s22 =	simm.s32 $0x1;
	s23 =	simm.s32 $0x2  }
0x4: {  	s24 =	simm.s32 $0x3;
	s25 =	simm.s32 $0x4;
	s4 =	sand.u32 $0x1, s1  }
0x5: {  	s26 =	simm.s32 $0x0;
	s31 =	sshll.u32 s0, $0x5;
	s3 =	sshll.u32 s4, $0x4  }
0x6: {  	s1 =	rddreg [dreg:$0x2];
	s5 =	sadd.s32 $0x400, s5;
	s6 =	sor.u32 s3, s31  }
0x7: {  	s4 =	ssub.s32 $0x2, s4;
	s3 =	simm.s32 $0x0;
	s7 =	smul.u32 $0x19000, s6  }
0x8: {  	s8 =	sshrl.u32 s4, $0x1;
	[smem:$0x7FF] =	sst s3;
	s6 =	smul.u32 $0x3200, s6  }
0x9: {  	s20 =	ssub.s32 s4, s8;
	_ =	strace $0x80000047;
	s7 =	sshrl.u32 s7, $0x3  }
0xa: {  	s20 =	smax.u32 s20, $0x1;
	s4 =	sadd.s32 s5, s6;
	s19 =	sadd.s32 s5, s7  }
0xb: {  	s5 =	sadd.s32 $0x3200, s19;
	s6 =	sadd.s32 $0x6400, s19;
	s7 =	sadd.s32 $0x9600, s19  }
0xc: {  	s8 =	sadd.s32 $0xC800, s19;
	s9 =	sadd.s32 $0xFA00, s19;
	s10 =	sadd.s32 $0x12C00, s19  }
0xd: {  	s11 =	sadd.s32 $0x15E00, s19;
	s12 =	sadd.s32 $0x19000, s19;
	s13 =	sadd.s32 $0x1C200, s19  }
0xe: {  	s14 =	sadd.s32 $0x1F400, s19;
	s15 =	sadd.s32 $0x22600, s19;
	s16 =	sadd.s32 $0x25800, s19  }
0xf: {  	s17 =	sadd.s32 $0x28A00, s19;
	s18 =	sadd.s32 $0x2BC00, s19;
	s19 =	sadd.s32 $0x2EE00, s19  }
.LBB2_1:
0x10: {  	s28 =	simm.s32 $0x10  }
0x11: {  	s31 =	sadd.s32 $0x0, s2;
	s29 =	simm.s32 $0x400;
	s30 =	simm.s32 $0x0  }
.LBB2_2:
0x12: {  	[tilespmem:s30], [sflag:$0x5] =	stream.linear.gather [hbm4b:s31+s3], $0x80, $0x38;
	[tilespmem:$0x19000] =	vst v63  }
0x13: {  	s31 =	smov.u32 s28;
	s30 =	smov.u32 s29;
	p0 =	sne.s32 s28, $0x630  }
.Ltmp0:
0x14: {  	s28 =	sadd.s32 $0x10, s28;
	(pc) =	sbr.rel @p0 .LBB2_2-.Ltmp0, $2  }
0x15: {  	_ =	sdelay $0x2  }
0x16: {  	s29 =	sadd.s32 $0x400, s29;
	s31 =	sadd.s32 s31, s2  }
0x17: {  	[tilespmem:s30], [sflag:$0x5] =	stream.linear.gather [hbm4b:s31+s3], $0x80, $0x38;
	[tilespmem:$0x19000] =	vst v63  }
0x18: {  	_ =	swait.ge [sflag:s21], $0x3200  }
0x19: {  	s28 =	simm.s32 $0x80;
	s29 =	simm.s32 $0x10;
	[sflag:s21] =	ssyncset.done $0x0  }
0x1a: {  	s31 =	sadd.s32 $0x0, s2;
	s30 =	simm.s32 $0x480;
	[sflag:s21] =	ssyncadd.s32 $0xFFFFCE00  }
.LBB2_4:
0x1b: {  	[tilespmem:s28], [sflag:$0x5] =	stream.linear.gather [hbm4b:s31+s3], $0x80, $0x38;
	[tilespmem:$0x19000] =	vst v63  }
0x1c: {  	s31 =	smov.u32 s29;
	s28 =	smov.u32 s30;
	p0 =	sne.s32 s29, $0x630  }
.Ltmp1:
0x1d: {  	s29 =	sadd.s32 $0x10, s29;
	(pc) =	sbr.rel @p0 .LBB2_4-.Ltmp1, $2  }
0x1e: {  	_ =	sdelay $0x2  }
0x1f: {  	s30 =	sadd.s32 $0x400, s30;
	s31 =	sadd.s32 s31, s2  }
0x20: {  	[tilespmem:s28], [sflag:$0x5] =	stream.linear.gather [hbm4b:s31+s3], $0x80, $0x38;
	[tilespmem:$0x19000] =	vst v63  }
0x21: {  	_ =	swait.ge [sflag:s21], $0x3200  }
0x22: {  	s28 =	simm.s32 $0x100;
	s29 =	simm.s32 $0x10;
	[sflag:s21] =	ssyncset.done $0x0  }
0x23: {  	s31 =	sadd.s32 $0x0, s2;
	s30 =	simm.s32 $0x500;
	[sflag:s21] =	ssyncadd.s32 $0xFFFFCE00  }
.LBB2_6:
0x24: {  	[tilespmem:s28], [sflag:$0x5] =	stream.linear.gather [hbm4b:s31+s3], $0x80, $0x38;
	[tilespmem:$0x19000] =	vst v63  }
0x25: {  	s31 =	smov.u32 s29;
	s28 =	smov.u32 s30;
	p0 =	sne.s32 s29, $0x630  }
.Ltmp2:
0x26: {  	s29 =	sadd.s32 $0x10, s29;
	(pc) =	sbr.rel @p0 .LBB2_6-.Ltmp2, $2  }
0x27: {  	_ =	sdelay $0x2  }
0x28: {  	s30 =	sadd.s32 $0x400, s30;
	s31 =	sadd.s32 s31, s2  }
0x29: {  	[tilespmem:s28], [sflag:$0x5] =	stream.linear.gather [hbm4b:s31+s3], $0x80, $0x38;
	[tilespmem:$0x19000] =	vst v63  }
0x2a: {  	_ =	swait.ge [sflag:s21], $0x3200  }
0x2b: {  	s28 =	simm.s32 $0x180;
	s29 =	simm.s32 $0x10;
	[sflag:s21] =	ssyncset.done $0x0  }
0x2c: {  	s31 =	sadd.s32 $0x0, s2;
	s30 =	simm.s32 $0x580;
	[sflag:s21] =	ssyncadd.s32 $0xFFFFCE00  }
.LBB2_8:
0x2d: {  	[tilespmem:s28], [sflag:$0x5] =	stream.linear.gather [hbm4b:s31+s3], $0x80, $0x38;
	[tilespmem:$0x19000] =	vst v63  }
0x2e: {  	s31 =	smov.u32 s29;
	s28 =	smov.u32 s30;
	p0 =	sne.s32 s29, $0x630  }
.Ltmp3:
0x2f: {  	s29 =	sadd.s32 $0x10, s29;
	(pc) =	sbr.rel @p0 .LBB2_8-.Ltmp3, $2  }
0x30: {  	_ =	sdelay $0x2  }
0x31: {  	s30 =	sadd.s32 $0x400, s30;
	s31 =	sadd.s32 s31, s2  }
0x32: {  	[tilespmem:s28], [sflag:$0x5] =	stream.linear.gather [hbm4b:s31+s3], $0x80, $0x38;
	[tilespmem:$0x19000] =	vst v63  }
0x33: {  	_ =	swait.ge [sflag:s21], $0x3200  }
0x34: {  	s28 =	simm.s32 $0x200;
	s29 =	simm.s32 $0x10;
	[sflag:s21] =	ssyncset.done $0x0  }
0x35: {  	s31 =	sadd.s32 $0x0, s2;
	s30 =	simm.s32 $0x600;
	[sflag:s21] =	ssyncadd.s32 $0xFFFFCE00  }
.LBB2_10:
0x36: {  	[tilespmem:s28], [sflag:$0x5] =	stream.linear.gather [hbm4b:s31+s3], $0x80, $0x38;
	[tilespmem:$0x19000] =	vst v63  }
0x37: {  	s31 =	smov.u32 s29;
	s28 =	smov.u32 s30;
	p0 =	sne.s32 s29, $0x630  }
.Ltmp4:
0x38: {  	s29 =	sadd.s32 $0x10, s29;
	(pc) =	sbr.rel @p0 .LBB2_10-.Ltmp4, $2  }
0x39: {  	_ =	sdelay $0x2  }
0x3a: {  	s30 =	sadd.s32 $0x400, s30;
	s31 =	sadd.s32 s31, s2  }
0x3b: {  	[tilespmem:s28], [sflag:$0x5] =	stream.linear.gather [hbm4b:s31+s3], $0x80, $0x38;
	[tilespmem:$0x19000] =	vst v63  }
0x3c: {  	_ =	swait.ge [sflag:s21], $0x3200  }
0x3d: {  	s28 =	simm.s32 $0x280;
	s29 =	simm.s32 $0x10;
	[sflag:s21] =	ssyncset.done $0x0  }
0x3e: {  	s31 =	sadd.s32 $0x0, s2;
	s30 =	simm.s32 $0x680;
	[sflag:s21] =	ssyncadd.s32 $0xFFFFCE00  }
.LBB2_12:
0x3f: {  	[tilespmem:s28], [sflag:$0x5] =	stream.linear.gather [hbm4b:s31+s3], $0x80, $0x38;
	[tilespmem:$0x19000] =	vst v63  }
0x40: {  	s31 =	smov.u32 s29;
	s28 =	smov.u32 s30;
	p0 =	sne.s32 s29, $0x630  }
.Ltmp5:
0x41: {  	s29 =	sadd.s32 $0x10, s29;
	(pc) =	sbr.rel @p0 .LBB2_12-.Ltmp5, $2  }
0x42: {  	_ =	sdelay $0x2  }
0x43: {  	s30 =	sadd.s32 $0x400, s30;
	s31 =	sadd.s32 s31, s2  }
0x44: {  	[tilespmem:s28], [sflag:$0x5] =	stream.linear.gather [hbm4b:s31+s3], $0x80, $0x38;
	[tilespmem:$0x19000] =	vst v63  }
0x45: {  	_ =	swait.ge [sflag:s21], $0x3200  }
0x46: {  	s28 =	simm.s32 $0x300;
	s29 =	simm.s32 $0x10;
	[sflag:s21] =	ssyncset.done $0x0  }
0x47: {  	s31 =	sadd.s32 $0x0, s2;
	s30 =	simm.s32 $0x700;
	[sflag:s21] =	ssyncadd.s32 $0xFFFFCE00  }
.LBB2_14:
0x48: {  	[tilespmem:s28], [sflag:$0x5] =	stream.linear.gather [hbm4b:s31+s3], $0x80, $0x38;
	[tilespmem:$0x19000] =	vst v63  }
0x49: {  	s31 =	smov.u32 s29;
	s28 =	smov.u32 s30;
	p0 =	sne.s32 s29, $0x630  }
.Ltmp6:
0x4a: {  	s29 =	sadd.s32 $0x10, s29;
	(pc) =	sbr.rel @p0 .LBB2_14-.Ltmp6, $2  }
0x4b: {  	_ =	sdelay $0x2  }
0x4c: {  	s30 =	sadd.s32 $0x400, s30;
	s31 =	sadd.s32 s31, s2  }
0x4d: {  	[tilespmem:s28], [sflag:$0x5] =	stream.linear.gather [hbm4b:s31+s3], $0x80, $0x38;
	[tilespmem:$0x19000] =	vst v63  }
0x4e: {  	_ =	swait.ge [sflag:s21], $0x3200  }
0x4f: {  	s28 =	simm.s32 $0x380;
	s29 =	simm.s32 $0x10;
	[sflag:s21] =	ssyncset.done $0x0  }
0x50: {  	s31 =	sadd.s32 $0x0, s2;
	s30 =	simm.s32 $0x780;
	[sflag:s21] =	ssyncadd.s32 $0xFFFFCE00  }
.LBB2_16:
0x51: {  	[tilespmem:s28], [sflag:$0x5] =	stream.linear.gather [hbm4b:s31+s3], $0x80, $0x38;
	[tilespmem:$0x19000] =	vst v63  }
0x52: {  	s31 =	smov.u32 s29;
	s28 =	smov.u32 s30;
	p0 =	sne.s32 s29, $0x630  }
.Ltmp7:
0x53: {  	s29 =	sadd.s32 $0x10, s29;
	(pc) =	sbr.rel @p0 .LBB2_16-.Ltmp7, $2  }
0x54: {  	_ =	sdelay $0x2  }
0x55: {  	s30 =	sadd.s32 $0x400, s30;
	s31 =	sadd.s32 s31, s2  }
0x56: {  	[tilespmem:s28], [sflag:$0x5] =	stream.linear.gather [hbm4b:s31+s3], $0x80, $0x38;
	[tilespmem:$0x19000] =	vst v63  }
0x57: {  	_ =	swait.ge [sflag:s21], $0x3200  }
0x58: {  	[sflag:s21] =	ssyncset.done $0x0  }
0x59: {  	[sflag:s21] =	ssyncadd.s32 $0xFFFFCE00  }
0x5a: {  	[hbm4b:s4+s3] =	stream.linear.scatter [tilespmem:s3], [sflag:$0x1], $0x19000, $0x38;
	[tilespmem:$0x19000] =	vst v63  }
0x5b: {  	_ = 	snop  }
0x5c: {  	[hbm4b:s5+s3] =	stream.linear.scatter [tilespmem:s3], [sflag:$0x2], $0x19000, $0x38;
	[tilespmem:$0x19000] =	vst v63  }
0x5d: {  	_ = 	snop  }
0x5e: {  	[hbm4b:s6+s3] =	stream.linear.scatter [tilespmem:s3], [sflag:$0x3], $0x19000, $0x38;
	[tilespmem:$0x19000] =	vst v63  }
0x5f: {  	_ = 	snop  }
0x60: {  	[hbm4b:s7+s3] =	stream.linear.scatter [tilespmem:s3], [sflag:$0x4], $0x19000, $0x38;
	[tilespmem:$0x19000] =	vst v63  }
0x61: {  	_ = 	snop  }
0x62: {  	[hbm4b:s8+s3] =	stream.linear.scatter [tilespmem:s3], [sflag:$0x1], $0x19000, $0x38;
	[tilespmem:$0x19000] =	vst v63  }
0x63: {  	_ =	swait.ge [sflag:s22], $0x19000  }
0x64: {  	[sflag:s22] =	ssyncset.done $0x0  }
0x65: {  	[sflag:s22] =	ssyncadd.s32 $0xFFFE7000  }
0x66: {  	[hbm4b:s9+s3] =	stream.linear.scatter [tilespmem:s3], [sflag:$0x2], $0x19000, $0x38;
	[tilespmem:$0x19000] =	vst v63  }
0x67: {  	_ =	swait.ge [sflag:s23], $0x19000  }
0x68: {  	[sflag:s23] =	ssyncset.done $0x0  }
0x69: {  	[sflag:s23] =	ssyncadd.s32 $0xFFFE7000  }
0x6a: {  	[hbm4b:s10+s3] =	stream.linear.scatter [tilespmem:s3], [sflag:$0x3], $0x19000, $0x38;
	[tilespmem:$0x19000] =	vst v63  }
0x6b: {  	_ =	swait.ge [sflag:s24], $0x19000  }
0x6c: {  	[sflag:s24] =	ssyncset.done $0x0  }
0x6d: {  	[sflag:s24] =	ssyncadd.s32 $0xFFFE7000  }
0x6e: {  	[hbm4b:s11+s3] =	stream.linear.scatter [tilespmem:s3], [sflag:$0x4], $0x19000, $0x38;
	[tilespmem:$0x19000] =	vst v63  }
0x6f: {  	_ =	swait.ge [sflag:s25], $0x19000  }
0x70: {  	[sflag:s25] =	ssyncset.done $0x0  }
0x71: {  	[sflag:s25] =	ssyncadd.s32 $0xFFFE7000  }
0x72: {  	[hbm4b:s12+s3] =	stream.linear.scatter [tilespmem:s3], [sflag:$0x1], $0x19000, $0x38;
	[tilespmem:$0x19000] =	vst v63  }
0x73: {  	_ =	swait.ge [sflag:s22], $0x19000  }
0x74: {  	[sflag:s22] =	ssyncset.done $0x0  }
0x75: {  	[sflag:s22] =	ssyncadd.s32 $0xFFFE7000  }
0x76: {  	[hbm4b:s13+s3] =	stream.linear.scatter [tilespmem:s3], [sflag:$0x2], $0x19000, $0x38;
	[tilespmem:$0x19000] =	vst v63  }
0x77: {  	_ =	swait.ge [sflag:s23], $0x19000  }
0x78: {  	[sflag:s23] =	ssyncset.done $0x0  }
0x79: {  	[sflag:s23] =	ssyncadd.s32 $0xFFFE7000  }
0x7a: {  	[hbm4b:s14+s3] =	stream.linear.scatter [tilespmem:s3], [sflag:$0x3], $0x19000, $0x38;
	[tilespmem:$0x19000] =	vst v63  }
0x7b: {  	_ =	swait.ge [sflag:s24], $0x19000  }
0x7c: {  	[sflag:s24] =	ssyncset.done $0x0  }
0x7d: {  	[sflag:s24] =	ssyncadd.s32 $0xFFFE7000  }
0x7e: {  	[hbm4b:s15+s3] =	stream.linear.scatter [tilespmem:s3], [sflag:$0x4], $0x19000, $0x38;
	[tilespmem:$0x19000] =	vst v63  }
0x7f: {  	_ =	swait.ge [sflag:s25], $0x19000  }
0x80: {  	[sflag:s25] =	ssyncset.done $0x0  }
0x81: {  	[sflag:s25] =	ssyncadd.s32 $0xFFFE7000  }
0x82: {  	[hbm4b:s16+s3] =	stream.linear.scatter [tilespmem:s3], [sflag:$0x1], $0x19000, $0x38;
	[tilespmem:$0x19000] =	vst v63  }
0x83: {  	_ =	swait.ge [sflag:s22], $0x19000  }
0x84: {  	[sflag:s22] =	ssyncset.done $0x0  }
0x85: {  	[sflag:s22] =	ssyncadd.s32 $0xFFFE7000  }
0x86: {  	[hbm4b:s17+s3] =	stream.linear.scatter [tilespmem:s3], [sflag:$0x2], $0x19000, $0x38;
	[tilespmem:$0x19000] =	vst v63  }
0x87: {  	_ =	swait.ge [sflag:s23], $0x19000  }
0x88: {  	[sflag:s23] =	ssyncset.done $0x0  }
0x89: {  	[sflag:s23] =	ssyncadd.s32 $0xFFFE7000  }
0x8a: {  	[hbm4b:s18+s3] =	stream.linear.scatter [tilespmem:s3], [sflag:$0x3], $0x19000, $0x38;
	[tilespmem:$0x19000] =	vst v63  }
0x8b: {  	_ =	swait.ge [sflag:s24], $0x19000  }
0x8c: {  	[sflag:s24] =	ssyncset.done $0x0  }
0x8d: {  	[sflag:s24] =	ssyncadd.s32 $0xFFFE7000  }
0x8e: {  	[hbm4b:s19+s3] =	stream.linear.scatter [tilespmem:s3], [sflag:$0x4], $0x19000, $0x38;
	[tilespmem:$0x19000] =	vst v63  }
0x8f: {  	_ =	swait.ge [sflag:s25], $0x19000  }
0x90: {  	[sflag:s25] =	ssyncset.done $0x0  }
0x91: {  	[sflag:s25] =	ssyncadd.s32 $0xFFFE7000  }
0x92: {  	_ =	swait.ge [sflag:s22], $0x19000  }
0x93: {  	[sflag:s22] =	ssyncset.done $0x0  }
0x94: {  	[sflag:s22] =	ssyncadd.s32 $0xFFFE7000  }
0x95: {  	_ =	swait.ge [sflag:s23], $0x19000  }
0x96: {  	[sflag:s23] =	ssyncset.done $0x0  }
0x97: {  	s26 =	sadd.s32 $0x1, s26;
	[sflag:s23] =	ssyncadd.s32 $0xFFFE7000  }
0x98: {  	p0 =	sne.s32 s26, s20;
	_ =	swait.ge [sflag:s24], $0x19000  }
.Ltmp8:
0x99: {  	[sflag:s24] =	ssyncset.done $0x0;
	(pc) =	sbr.rel @p0 .LBB2_1-.Ltmp8, $4  }
0x9a: {  	[sflag:s24] =	ssyncadd.s32 $0xFFFE7000  }
0x9b: {  	_ =	swait.ge [sflag:s25], $0x19000  }
0x9c: {  	[sflag:s25] =	ssyncset.done $0x0  }
0x9d: {  	[sflag:s25] =	ssyncadd.s32 $0xFFFE7000  }
0x9e: {  	_ =	sfence.sel $0x180000  }
0x9f: {  	[bflag:$0x0] =	sbarrier.arrive $0xFFFF  }
0xa0: {  	p0 =	sne.s32 s0, $0x0;
	_ =	strace $0x90000047  }
0xa1: {  	s0 =	sadd.s32 @!p0 $0x100000, s1;
	[bflag:$0x2] =	sbarrier.arrive $0xFFFF  }
0xa2: {  	[sflag:s0] =	ssyncadd.tile.s32 @!p0 $0x1;
	_ =	shalt  }
.Lfunc_end2:
_tile_overlayer_lowered:
.L_overlay_start_2:
0xa3: {  	(tag) =	ssettag $0x2  }
0xa4: {  	s0 =	rddreg [dreg:$0x0];
	s2 =	stileid.u32  }
0xa5: {  	s1 =	rddreg [dreg:$0x1];
	p0 =	sne.s32 s2, $0x0  }
0xa6: {  	s3 =	rddreg [dreg:$0x2];
	[bflag:$0x3] =	sbarrier.arrive $0xFFFF;
	s2 =	simm.s32 @!p0 $0x1C05  }
0xa7: {  	[timem:s3], [sflag:s2] =	dma.local @!p0 [hbm:s0], s1  }
0xa8: {  	s0 =	simm.s32 @!p0 $0x5  }
0xa9: {  	_ =	swait.ge @!p0 [sflag:s0], s1  }
0xaa: {  	s1 =	ssub.s32 @!p0 $0x0, s1;
	[sflag:s0] =	ssyncset.done @!p0 $0x0  }
0xab: {  	[sflag:s0] =	ssyncadd.s32 @!p0 s1  }
0xac: {  	[bflag:$0x3] =	sbarrier.arrive $0xFFFF  }
0xad: {  	_ =	shalt  }

</sc_bundles>
